<compile_context>
chip_gen: v7x
topology: tpu7x:2x2x1
jax: 0.10.2.dev20260603
libtpu: 0.0.44.dev20260713+nightly
codegen_flags: <defaults>
</compile_context>

<pallas_src>
import functools

import jax
import jax.numpy as jnp
from jax import lax
from jax.experimental import pallas as pl
from jax.experimental.pallas import tpu as pltpu
from jax.experimental.pallas import tpu_sc as plsc

D_MODEL = 128
UNIT = 128
NB = 3


@functools.cache
def _make_gather(n_rows):
    info = plsc.get_sparse_core_info()
    nc, ns = info.num_cores, info.num_subcores
    nw = nc * ns
    rows_per_w = n_rows // nw
    m = rows_per_w // UNIT
    mesh = plsc.VectorSubcoreMesh(core_axis_name="c", subcore_axis_name="s")

    def body(x_hbm, w_hbm, out_hbm, idx_v, tbuf, sbuf, gsem, xsem, wsem):
        sid = lax.axis_index("s")
        wid = sid * nc + lax.axis_index("c")
        base = wid * rows_per_w
        pltpu.sync_copy(x_hbm.at[pl.ds(base, rows_per_w)], idx_v)

        def start_g(j, t):
            pltpu.async_copy(
                w_hbm.at[idx_v.at[pl.ds(j * UNIT, UNIT)]], tbuf.at[t], gsem
            )

        def wait_g(t):
            pltpu.make_async_copy(
                w_hbm.at[idx_v.at[pl.ds(0, UNIT)]], tbuf.at[t], gsem
            ).wait()

        def start_x(t, s):
            pltpu.async_copy(tbuf.at[t], sbuf.at[sid, s], xsem)

        def wait_x(t, s):
            pltpu.make_async_copy(tbuf.at[t], sbuf.at[sid, s], xsem).wait()

        def start_w(j, s):
            pltpu.async_copy(
                sbuf.at[sid, s], out_hbm.at[pl.ds(base + j * UNIT, UNIT)], wsem
            )

        def wait_w(s):
            pltpu.make_async_copy(
                sbuf.at[sid, s], out_hbm.at[pl.ds(0, UNIT)], wsem
            ).wait()

        for t in range(NB):
            start_g(t, t)
        wait_g(0)
        start_x(0, 0)
        wait_g(1)
        start_x(1, 1)
        wait_x(0, 0)
        start_w(0, 0)
        start_g(NB, 0)

        def steady(j, carry):
            t = lax.rem(j, NB)
            wait_g(t)
            start_x(t, t)
            tp = lax.rem(j - 1, NB)
            wait_x(tp, tp)
            start_w(j - 1, tp)
            start_g(j + 2, tp)
            wait_w(lax.rem(j - 2, NB))
            return carry

        lax.fori_loop(2, m - 2, steady, 0)

        for j in (m - 2, m - 1):
            t = j % NB
            wait_g(t)
            start_x(t, t)
            tp = (j - 1) % NB
            wait_x(tp, tp)
            start_w(j - 1, tp)
            wait_w((j - 2) % NB)
        tl = (m - 1) % NB
        wait_x(tl, tl)
        start_w(m - 1, tl)
        wait_w((m - 2) % NB)
        wait_w((m - 1) % NB)

    return pl.kernel(
        body,
        out_type=jax.ShapeDtypeStruct((n_rows, D_MODEL), jnp.float32),
        mesh=mesh,
        scratch_types=[
            pltpu.VMEM((rows_per_w,), jnp.int32),
            pltpu.VMEM((NB, UNIT, D_MODEL), jnp.float32),
            pltpu.VMEM_SHARED((ns, NB, UNIT, D_MODEL), jnp.float32),
            pltpu.SemaphoreType.DMA,
            pltpu.SemaphoreType.DMA,
            pltpu.SemaphoreType.DMA,
        ],
    )


def kernel(x, W):
    b, t = x.shape
    n = b * t
    x_flat = x.reshape(n).astype(jnp.int32)
    out = _make_gather(n)(x_flat, W)
    return out.reshape(b, t, D_MODEL)

# --- scband reference (transcript-rebuilt; emitter-appended) ---
"""Pipeline reference for scband-embedding-module-62251255988852 (READ-ONLY COPY).

The authoritative reference and input builder live on the scoring server;
editing this copy changes nothing except your own understanding.
"""

import jax, jax.numpy as jnp
import numpy as np

VOCAB = 100000
D_MODEL = 128

def setup_inputs(seed: int = 0) -> dict:
    key = jax.random.key(seed)
    k_idx, k_w = jax.random.split(key)
    x = jax.random.randint(k_idx, (4096, 200), 0, VOCAB, dtype=jnp.int64 if jax.config.jax_enable_x64 else jnp.int32)
    # trunc_normal_(std=1, a=-3, b=3)
    W = jax.random.truncated_normal(k_w, -3.0, 3.0, (VOCAB, D_MODEL), dtype=jnp.float32)
    return {"x": x, "W": W}

def reference(x, W):
    # embedding_matrix[x]
    return jnp.take(W, x, axis=0)

if __name__ == "__main__":
    import jax
    _d = setup_inputs()
    print(jax.jit(kernel)(*tuple(_d.values())))

</pallas_src>

<mosaic_0001>
#map = affine_map<(d0, d1) -> (0)>
#map1 = affine_map<(d0, d1) -> (0, 0)>
module attributes {stable_mosaic.version = 14 : i64} {
  func.func @body(%arg0: i32, %arg1: i32, %arg2: memref<819200xi32, #tpu.memory_space<hbm>>, %arg3: memref<100000x128xf32, #tpu.memory_space<hbm>>, %arg4: memref<819200x128xf32, #tpu.memory_space<hbm>>, %arg5: memref<25600xi32, #tpu.memory_space<vmem>>, %arg6: memref<3x128x128xf32, #tpu.memory_space<vmem>>, %arg7: memref<16x3x128x128xf32, #tpu.memory_space<vmem_shared>>, %arg8: memref<!tpu.dma_semaphore, #tpu.memory_space<semaphore_mem>>, %arg9: memref<!tpu.dma_semaphore, #tpu.memory_space<semaphore_mem>>, %arg10: memref<!tpu.dma_semaphore, #tpu.memory_space<semaphore_mem>>) attributes {dimension_semantics = [#tpu.dimension_semantics<core_parallel>, #tpu.dimension_semantics<subcore_parallel>], iteration_bounds = array<i64: 2, 16>, scalar_prefetch = 0 : i64, scratch_operands = 6 : i64, tpu.core_type = #tpu.core_type<sc_vector_subcore>, window_params = [{transform_indices = #map}, {transform_indices = #map1}, {transform_indices = #map1}]} {
    %mul3A = arith.constant 2 : i32
    %mul3A_0 = arith.muli %arg1, %mul3A : i32
    %add3A = arith.addi %mul3A_0, %arg0 : i32
    %mul3A_1 = arith.constant 25600 : i32
    %mul3A_2 = arith.muli %add3A, %mul3A_1 : i32
    "tpu.region"() ({
      %run_scoped3A = tpu.sem_alloc : memref<!tpu.dma_semaphore, #tpu.memory_space<semaphore_mem>>
      %dma_start3A_298 = tpu.memref_slice %arg2[%mul3A_2] : memref<819200xi32, #tpu.memory_space<hbm>> -> memref<25600xi32, #tpu.memory_space<hbm>>
      %dma_start3A_299 = tpu.memref_slice %arg2[%mul3A_2] : memref<819200xi32, #tpu.memory_space<hbm>> -> memref<25600xi32, #tpu.memory_space<hbm>>
      tpu.enqueue_dma source(%dma_start3A_299 : memref<25600xi32, #tpu.memory_space<hbm>>) target(%arg5 : memref<25600xi32, #tpu.memory_space<vmem>>) target_semaphore(%run_scoped3A : memref<!tpu.dma_semaphore, #tpu.memory_space<semaphore_mem>>)
      %dma_wait3A_300 = tpu.memref_slice %arg2[%mul3A_2] : memref<819200xi32, #tpu.memory_space<hbm>> -> memref<25600xi32, #tpu.memory_space<hbm>>
      %dma_wait3A_301 = tpu.memref_slice %arg2[%mul3A_2] : memref<819200xi32, #tpu.memory_space<hbm>> -> memref<25600xi32, #tpu.memory_space<hbm>>
      tpu.wait_dma2 semaphore(%run_scoped3A : memref<!tpu.dma_semaphore, #tpu.memory_space<semaphore_mem>>) src(%dma_wait3A_301 : memref<25600xi32, #tpu.memory_space<hbm>>) dst(%arg5 : memref<25600xi32, #tpu.memory_space<vmem>>)
      tpu.yield
    }) : () -> ()
    %dma_start3A = arith.constant 0 : i32
    %dma_start3A_3 = arith.constant 0 : i32
    %dma_start3A_4 = arith.constant 0 : i32
    %dma_start3A_5 = tpu.memref_slice %arg6[%dma_start3A, %dma_start3A_3, %dma_start3A_4] : memref<3x128x128xf32, #tpu.memory_space<vmem>> -> memref<1x128x128xf32, #tpu.memory_space<vmem>>
    %dma_start3A_6 = tpu.memref_squeeze %dma_start3A_5 : memref<1x128x128xf32, #tpu.memory_space<vmem>> -> memref<128x128xf32, #tpu.memory_space<vmem>>
    %dma_start3A_7 = arith.constant 0 : i32
    %dma_start3A_8 = tpu.memref_slice %arg5[%dma_start3A_7] : memref<25600xi32, #tpu.memory_space<vmem>> -> memref<128xi32, #tpu.memory_space<vmem>>
    %dma_start3A_9 = arith.constant 0 : i32
    %dma_start3A_10 = arith.constant 0 : i32
    %dma_start3A_11 = tpu.memref_slice %arg3[%dma_start3A_9, %dma_start3A_10] : memref<100000x128xf32, #tpu.memory_space<hbm>> -> memref<100000x128xf32, #tpu.memory_space<hbm>>
    tpu.enqueue_indirect_dma source(%dma_start3A_11 : memref<100000x128xf32, #tpu.memory_space<hbm>>) target(%dma_start3A_6 : memref<128x128xf32, #tpu.memory_space<vmem>>) offsets(%dma_start3A_8 : memref<128xi32, #tpu.memory_space<vmem>>) semaphore(%arg8 : memref<!tpu.dma_semaphore, #tpu.memory_space<semaphore_mem>>)
    %dma_start3A_12 = arith.constant 1 : i32
    %dma_start3A_13 = arith.constant 0 : i32
    %dma_start3A_14 = arith.constant 0 : i32
    %dma_start3A_15 = tpu.memref_slice %arg6[%dma_start3A_12, %dma_start3A_13, %dma_start3A_14] : memref<3x128x128xf32, #tpu.memory_space<vmem>> -> memref<1x128x128xf32, #tpu.memory_space<vmem>>
    %dma_start3A_16 = tpu.memref_squeeze %dma_start3A_15 : memref<1x128x128xf32, #tpu.memory_space<vmem>> -> memref<128x128xf32, #tpu.memory_space<vmem>>
    %dma_start3A_17 = arith.constant 128 : i32
    %dma_start3A_18 = tpu.memref_slice %arg5[%dma_start3A_17] : memref<25600xi32, #tpu.memory_space<vmem>> -> memref<128xi32, #tpu.memory_space<vmem>>
    %dma_start3A_19 = arith.constant 0 : i32
    %dma_start3A_20 = arith.constant 0 : i32
    %dma_start3A_21 = tpu.memref_slice %arg3[%dma_start3A_19, %dma_start3A_20] : memref<100000x128xf32, #tpu.memory_space<hbm>> -> memref<100000x128xf32, #tpu.memory_space<hbm>>
    tpu.enqueue_indirect_dma source(%dma_start3A_21 : memref<100000x128xf32, #tpu.memory_space<hbm>>) target(%dma_start3A_16 : memref<128x128xf32, #tpu.memory_space<vmem>>) offsets(%dma_start3A_18 : memref<128xi32, #tpu.memory_space<vmem>>) semaphore(%arg8 : memref<!tpu.dma_semaphore, #tpu.memory_space<semaphore_mem>>)
    %dma_start3A_22 = arith.constant 2 : i32
    %dma_start3A_23 = arith.constant 0 : i32
    %dma_start3A_24 = arith.constant 0 : i32
    %dma_start3A_25 = tpu.memref_slice %arg6[%dma_start3A_22, %dma_start3A_23, %dma_start3A_24] : memref<3x128x128xf32, #tpu.memory_space<vmem>> -> memref<1x128x128xf32, #tpu.memory_space<vmem>>
    %dma_start3A_26 = tpu.memref_squeeze %dma_start3A_25 : memref<1x128x128xf32, #tpu.memory_space<vmem>> -> memref<128x128xf32, #tpu.memory_space<vmem>>
    %dma_start3A_27 = arith.constant 256 : i32
    %dma_start3A_28 = tpu.memref_slice %arg5[%dma_start3A_27] : memref<25600xi32, #tpu.memory_space<vmem>> -> memref<128xi32, #tpu.memory_space<vmem>>
    %dma_start3A_29 = arith.constant 0 : i32
    %dma_start3A_30 = arith.constant 0 : i32
    %dma_start3A_31 = tpu.memref_slice %arg3[%dma_start3A_29, %dma_start3A_30] : memref<100000x128xf32, #tpu.memory_space<hbm>> -> memref<100000x128xf32, #tpu.memory_space<hbm>>
    tpu.enqueue_indirect_dma source(%dma_start3A_31 : memref<100000x128xf32, #tpu.memory_space<hbm>>) target(%dma_start3A_26 : memref<128x128xf32, #tpu.memory_space<vmem>>) offsets(%dma_start3A_28 : memref<128xi32, #tpu.memory_space<vmem>>) semaphore(%arg8 : memref<!tpu.dma_semaphore, #tpu.memory_space<semaphore_mem>>)
    %dma_wait3A = arith.constant 0 : i32
    %dma_wait3A_32 = arith.constant 0 : i32
    %dma_wait3A_33 = arith.constant 0 : i32
    %dma_wait3A_34 = tpu.memref_slice %arg6[%dma_wait3A, %dma_wait3A_32, %dma_wait3A_33] : memref<3x128x128xf32, #tpu.memory_space<vmem>> -> memref<1x128x128xf32, #tpu.memory_space<vmem>>
    %dma_wait3A_35 = tpu.memref_squeeze %dma_wait3A_34 : memref<1x128x128xf32, #tpu.memory_space<vmem>> -> memref<128x128xf32, #tpu.memory_space<vmem>>
    %dma_wait3A_36 = arith.constant 0 : i32
    %dma_wait3A_37 = tpu.memref_slice %arg5[%dma_wait3A_36] : memref<25600xi32, #tpu.memory_space<vmem>> -> memref<128xi32, #tpu.memory_space<vmem>>
    %dma_wait3A_38 = arith.constant 0 : i32
    %dma_wait3A_39 = arith.constant 0 : i32
    %dma_wait3A_40 = tpu.memref_slice %arg3[%dma_wait3A_38, %dma_wait3A_39] : memref<100000x128xf32, #tpu.memory_space<hbm>> -> memref<100000x128xf32, #tpu.memory_space<hbm>>
    tpu.wait_indirect_dma semaphore(%arg8 : memref<!tpu.dma_semaphore, #tpu.memory_space<semaphore_mem>>) src(%dma_wait3A_40 : memref<100000x128xf32, #tpu.memory_space<hbm>>) dst(%dma_wait3A_35 : memref<128x128xf32, #tpu.memory_space<vmem>>)
    %dma_start3A_41 = arith.constant 0 : i32
    %dma_start3A_42 = arith.constant 0 : i32
    %dma_start3A_43 = arith.constant 0 : i32
    %dma_start3A_44 = arith.constant 0 : i32
    %dma_start3A_45 = tpu.memref_slice %arg6[%dma_start3A_41, %dma_start3A_43, %dma_start3A_44] : memref<3x128x128xf32, #tpu.memory_space<vmem>> -> memref<1x128x128xf32, #tpu.memory_space<vmem>>
    %dma_start3A_46 = tpu.memref_squeeze %dma_start3A_45 : memref<1x128x128xf32, #tpu.memory_space<vmem>> -> memref<128x128xf32, #tpu.memory_space<vmem>>
    %dma_start3A_47 = arith.constant 0 : i32
    %dma_start3A_48 = arith.constant 0 : i32
    %dma_start3A_49 = tpu.memref_slice %arg7[%arg1, %dma_start3A_42, %dma_start3A_47, %dma_start3A_48] : memref<16x3x128x128xf32, #tpu.memory_space<vmem_shared>> -> memref<1x1x128x128xf32, #tpu.memory_space<vmem_shared>>
    %dma_start3A_50 = tpu.memref_squeeze %dma_start3A_49 : memref<1x1x128x128xf32, #tpu.memory_space<vmem_shared>> -> memref<128x128xf32, #tpu.memory_space<vmem_shared>>
    %dma_start3A_51 = arith.constant 0 : i32
    %dma_start3A_52 = arith.constant 0 : i32
    %dma_start3A_53 = tpu.memref_slice %arg7[%arg1, %dma_start3A_42, %dma_start3A_51, %dma_start3A_52] : memref<16x3x128x128xf32, #tpu.memory_space<vmem_shared>> -> memref<1x1x128x128xf32, #tpu.memory_space<vmem_shared>>
    %dma_start3A_54 = tpu.memref_squeeze %dma_start3A_53 : memref<1x1x128x128xf32, #tpu.memory_space<vmem_shared>> -> memref<128x128xf32, #tpu.memory_space<vmem_shared>>
    %dma_start3A_55 = arith.constant 0 : i32
    %dma_start3A_56 = arith.constant 0 : i32
    %dma_start3A_57 = tpu.memref_slice %arg6[%dma_start3A_41, %dma_start3A_55, %dma_start3A_56] : memref<3x128x128xf32, #tpu.memory_space<vmem>> -> memref<1x128x128xf32, #tpu.memory_space<vmem>>
    %dma_start3A_58 = tpu.memref_squeeze %dma_start3A_57 : memref<1x128x128xf32, #tpu.memory_space<vmem>> -> memref<128x128xf32, #tpu.memory_space<vmem>>
    tpu.enqueue_dma source(%dma_start3A_58 : memref<128x128xf32, #tpu.memory_space<vmem>>) target(%dma_start3A_54 : memref<128x128xf32, #tpu.memory_space<vmem_shared>>) target_semaphore(%arg9 : memref<!tpu.dma_semaphore, #tpu.memory_space<semaphore_mem>>)
    %dma_wait3A_59 = arith.constant 1 : i32
    %dma_wait3A_60 = arith.constant 0 : i32
    %dma_wait3A_61 = arith.constant 0 : i32
    %dma_wait3A_62 = tpu.memref_slice %arg6[%dma_wait3A_59, %dma_wait3A_60, %dma_wait3A_61] : memref<3x128x128xf32, #tpu.memory_space<vmem>> -> memref<1x128x128xf32, #tpu.memory_space<vmem>>
    %dma_wait3A_63 = tpu.memref_squeeze %dma_wait3A_62 : memref<1x128x128xf32, #tpu.memory_space<vmem>> -> memref<128x128xf32, #tpu.memory_space<vmem>>
    %dma_wait3A_64 = arith.constant 0 : i32
    %dma_wait3A_65 = tpu.memref_slice %arg5[%dma_wait3A_64] : memref<25600xi32, #tpu.memory_space<vmem>> -> memref<128xi32, #tpu.memory_space<vmem>>
    %dma_wait3A_66 = arith.constant 0 : i32
    %dma_wait3A_67 = arith.constant 0 : i32
    %dma_wait3A_68 = tpu.memref_slice %arg3[%dma_wait3A_66, %dma_wait3A_67] : memref<100000x128xf32, #tpu.memory_space<hbm>> -> memref<100000x128xf32, #tpu.memory_space<hbm>>
    tpu.wait_indirect_dma semaphore(%arg8 : memref<!tpu.dma_semaphore, #tpu.memory_space<semaphore_mem>>) src(%dma_wait3A_68 : memref<100000x128xf32, #tpu.memory_space<hbm>>) dst(%dma_wait3A_63 : memref<128x128xf32, #tpu.memory_space<vmem>>)
    %dma_start3A_69 = arith.constant 1 : i32
    %dma_start3A_70 = arith.constant 1 : i32
    %dma_start3A_71 = arith.constant 0 : i32
    %dma_start3A_72 = arith.constant 0 : i32
    %dma_start3A_73 = tpu.memref_slice %arg6[%dma_start3A_69, %dma_start3A_71, %dma_start3A_72] : memref<3x128x128xf32, #tpu.memory_space<vmem>> -> memref<1x128x128xf32, #tpu.memory_space<vmem>>
    %dma_start3A_74 = tpu.memref_squeeze %dma_start3A_73 : memref<1x128x128xf32, #tpu.memory_space<vmem>> -> memref<128x128xf32, #tpu.memory_space<vmem>>
    %dma_start3A_75 = arith.constant 0 : i32
    %dma_start3A_76 = arith.constant 0 : i32
    %dma_start3A_77 = tpu.memref_slice %arg7[%arg1, %dma_start3A_70, %dma_start3A_75, %dma_start3A_76] : memref<16x3x128x128xf32, #tpu.memory_space<vmem_shared>> -> memref<1x1x128x128xf32, #tpu.memory_space<vmem_shared>>
    %dma_start3A_78 = tpu.memref_squeeze %dma_start3A_77 : memref<1x1x128x128xf32, #tpu.memory_space<vmem_shared>> -> memref<128x128xf32, #tpu.memory_space<vmem_shared>>
    %dma_start3A_79 = arith.constant 0 : i32
    %dma_start3A_80 = arith.constant 0 : i32
    %dma_start3A_81 = tpu.memref_slice %arg7[%arg1, %dma_start3A_70, %dma_start3A_79, %dma_start3A_80] : memref<16x3x128x128xf32, #tpu.memory_space<vmem_shared>> -> memref<1x1x128x128xf32, #tpu.memory_space<vmem_shared>>
    %dma_start3A_82 = tpu.memref_squeeze %dma_start3A_81 : memref<1x1x128x128xf32, #tpu.memory_space<vmem_shared>> -> memref<128x128xf32, #tpu.memory_space<vmem_shared>>
    %dma_start3A_83 = arith.constant 0 : i32
    %dma_start3A_84 = arith.constant 0 : i32
    %dma_start3A_85 = tpu.memref_slice %arg6[%dma_start3A_69, %dma_start3A_83, %dma_start3A_84] : memref<3x128x128xf32, #tpu.memory_space<vmem>> -> memref<1x128x128xf32, #tpu.memory_space<vmem>>
    %dma_start3A_86 = tpu.memref_squeeze %dma_start3A_85 : memref<1x128x128xf32, #tpu.memory_space<vmem>> -> memref<128x128xf32, #tpu.memory_space<vmem>>
    tpu.enqueue_dma source(%dma_start3A_86 : memref<128x128xf32, #tpu.memory_space<vmem>>) target(%dma_start3A_82 : memref<128x128xf32, #tpu.memory_space<vmem_shared>>) target_semaphore(%arg9 : memref<!tpu.dma_semaphore, #tpu.memory_space<semaphore_mem>>)
    %dma_wait3A_87 = arith.constant 0 : i32
    %dma_wait3A_88 = arith.constant 0 : i32
    %dma_wait3A_89 = arith.constant 0 : i32
    %dma_wait3A_90 = arith.constant 0 : i32
    %dma_wait3A_91 = tpu.memref_slice %arg6[%dma_wait3A_87, %dma_wait3A_89, %dma_wait3A_90] : memref<3x128x128xf32, #tpu.memory_space<vmem>> -> memref<1x128x128xf32, #tpu.memory_space<vmem>>
    %dma_wait3A_92 = tpu.memref_squeeze %dma_wait3A_91 : memref<1x128x128xf32, #tpu.memory_space<vmem>> -> memref<128x128xf32, #tpu.memory_space<vmem>>
    %dma_wait3A_93 = arith.constant 0 : i32
    %dma_wait3A_94 = arith.constant 0 : i32
    %dma_wait3A_95 = tpu.memref_slice %arg7[%arg1, %dma_wait3A_88, %dma_wait3A_93, %dma_wait3A_94] : memref<16x3x128x128xf32, #tpu.memory_space<vmem_shared>> -> memref<1x1x128x128xf32, #tpu.memory_space<vmem_shared>>
    %dma_wait3A_96 = tpu.memref_squeeze %dma_wait3A_95 : memref<1x1x128x128xf32, #tpu.memory_space<vmem_shared>> -> memref<128x128xf32, #tpu.memory_space<vmem_shared>>
    %dma_wait3A_97 = arith.constant 0 : i32
    %dma_wait3A_98 = arith.constant 0 : i32
    %dma_wait3A_99 = tpu.memref_slice %arg7[%arg1, %dma_wait3A_88, %dma_wait3A_97, %dma_wait3A_98] : memref<16x3x128x128xf32, #tpu.memory_space<vmem_shared>> -> memref<1x1x128x128xf32, #tpu.memory_space<vmem_shared>>
    %dma_wait3A_100 = tpu.memref_squeeze %dma_wait3A_99 : memref<1x1x128x128xf32, #tpu.memory_space<vmem_shared>> -> memref<128x128xf32, #tpu.memory_space<vmem_shared>>
    %dma_wait3A_101 = arith.constant 0 : i32
    %dma_wait3A_102 = arith.constant 0 : i32
    %dma_wait3A_103 = tpu.memref_slice %arg6[%dma_wait3A_87, %dma_wait3A_101, %dma_wait3A_102] : memref<3x128x128xf32, #tpu.memory_space<vmem>> -> memref<1x128x128xf32, #tpu.memory_space<vmem>>
    %dma_wait3A_104 = tpu.memref_squeeze %dma_wait3A_103 : memref<1x128x128xf32, #tpu.memory_space<vmem>> -> memref<128x128xf32, #tpu.memory_space<vmem>>
    tpu.wait_dma2 semaphore(%arg9 : memref<!tpu.dma_semaphore, #tpu.memory_space<semaphore_mem>>) src(%dma_wait3A_104 : memref<128x128xf32, #tpu.memory_space<vmem>>) dst(%dma_wait3A_100 : memref<128x128xf32, #tpu.memory_space<vmem_shared>>)
    %add3A_105 = arith.constant 0 : i32
    %add3A_106 = arith.addi %mul3A_2, %add3A_105 : i32
    %dma_start3A_107 = arith.constant 0 : i32
    %dma_start3A_108 = arith.constant 0 : i32
    %dma_start3A_109 = tpu.memref_slice %arg4[%add3A_106, %dma_start3A_108] : memref<819200x128xf32, #tpu.memory_space<hbm>> -> memref<128x128xf32, #tpu.memory_space<hbm>>
    %dma_start3A_110 = arith.constant 0 : i32
    %dma_start3A_111 = arith.constant 0 : i32
    %dma_start3A_112 = tpu.memref_slice %arg7[%arg1, %dma_start3A_107, %dma_start3A_110, %dma_start3A_111] : memref<16x3x128x128xf32, #tpu.memory_space<vmem_shared>> -> memref<1x1x128x128xf32, #tpu.memory_space<vmem_shared>>
    %dma_start3A_113 = tpu.memref_squeeze %dma_start3A_112 : memref<1x1x128x128xf32, #tpu.memory_space<vmem_shared>> -> memref<128x128xf32, #tpu.memory_space<vmem_shared>>
    tpu.enqueue_dma source(%dma_start3A_113 : memref<128x128xf32, #tpu.memory_space<vmem_shared>>) target(%dma_start3A_109 : memref<128x128xf32, #tpu.memory_space<hbm>>) target_semaphore(%arg10 : memref<!tpu.dma_semaphore, #tpu.memory_space<semaphore_mem>>)
    %dma_start3A_114 = arith.constant 0 : i32
    %dma_start3A_115 = arith.constant 0 : i32
    %dma_start3A_116 = arith.constant 0 : i32
    %dma_start3A_117 = tpu.memref_slice %arg6[%dma_start3A_114, %dma_start3A_115, %dma_start3A_116] : memref<3x128x128xf32, #tpu.memory_space<vmem>> -> memref<1x128x128xf32, #tpu.memory_space<vmem>>
    %dma_start3A_118 = tpu.memref_squeeze %dma_start3A_117 : memref<1x128x128xf32, #tpu.memory_space<vmem>> -> memref<128x128xf32, #tpu.memory_space<vmem>>
    %dma_start3A_119 = arith.constant 384 : i32
    %dma_start3A_120 = tpu.memref_slice %arg5[%dma_start3A_119] : memref<25600xi32, #tpu.memory_space<vmem>> -> memref<128xi32, #tpu.memory_space<vmem>>
    %dma_start3A_121 = arith.constant 0 : i32
    %dma_start3A_122 = arith.constant 0 : i32
    %dma_start3A_123 = tpu.memref_slice %arg3[%dma_start3A_121, %dma_start3A_122] : memref<100000x128xf32, #tpu.memory_space<hbm>> -> memref<100000x128xf32, #tpu.memory_space<hbm>>
    tpu.enqueue_indirect_dma source(%dma_start3A_123 : memref<100000x128xf32, #tpu.memory_space<hbm>>) target(%dma_start3A_118 : memref<128x128xf32, #tpu.memory_space<vmem>>) offsets(%dma_start3A_120 : memref<128xi32, #tpu.memory_space<vmem>>) semaphore(%arg8 : memref<!tpu.dma_semaphore, #tpu.memory_space<semaphore_mem>>)
    %scan3A = arith.constant 0 : i32
    %scan3A_124 = arith.constant 2 : i32
    %scan3A_125 = arith.constant 196 : i32
    %scan3A_126 = arith.addi %scan3A_124, %scan3A_125 : i32
    %scan3A_127 = arith.constant 1 : i32
    scf.for %scan3A_298 = %scan3A_124 to %scan3A_126 step %scan3A_127  : i32 {
      %rem3A = arith.constant 3 : i32
      %rem3A_299 = arith.remsi %scan3A_298, %rem3A : i32
      %dma_wait3A_300 = arith.constant 0 : i32
      %dma_wait3A_301 = arith.constant 0 : i32
      %dma_wait3A_302 = tpu.memref_slice %arg6[%rem3A_299, %dma_wait3A_300, %dma_wait3A_301] : memref<3x128x128xf32, #tpu.memory_space<vmem>> -> memref<1x128x128xf32, #tpu.memory_space<vmem>>
      %dma_wait3A_303 = tpu.memref_squeeze %dma_wait3A_302 : memref<1x128x128xf32, #tpu.memory_space<vmem>> -> memref<128x128xf32, #tpu.memory_space<vmem>>
      %dma_wait3A_304 = arith.constant 0 : i32
      %dma_wait3A_305 = tpu.memref_slice %arg5[%dma_wait3A_304] : memref<25600xi32, #tpu.memory_space<vmem>> -> memref<128xi32, #tpu.memory_space<vmem>>
      %dma_wait3A_306 = arith.constant 0 : i32
      %dma_wait3A_307 = arith.constant 0 : i32
      %dma_wait3A_308 = tpu.memref_slice %arg3[%dma_wait3A_306, %dma_wait3A_307] : memref<100000x128xf32, #tpu.memory_space<hbm>> -> memref<100000x128xf32, #tpu.memory_space<hbm>>
      tpu.wait_indirect_dma semaphore(%arg8 : memref<!tpu.dma_semaphore, #tpu.memory_space<semaphore_mem>>) src(%dma_wait3A_308 : memref<100000x128xf32, #tpu.memory_space<hbm>>) dst(%dma_wait3A_303 : memref<128x128xf32, #tpu.memory_space<vmem>>)
      %dma_start3A_309 = arith.constant 0 : i32
      %dma_start3A_310 = arith.constant 0 : i32
      %dma_start3A_311 = tpu.memref_slice %arg6[%rem3A_299, %dma_start3A_309, %dma_start3A_310] : memref<3x128x128xf32, #tpu.memory_space<vmem>> -> memref<1x128x128xf32, #tpu.memory_space<vmem>>
      %dma_start3A_312 = tpu.memref_squeeze %dma_start3A_311 : memref<1x128x128xf32, #tpu.memory_space<vmem>> -> memref<128x128xf32, #tpu.memory_space<vmem>>
      %dma_start3A_313 = arith.constant 0 : i32
      %dma_start3A_314 = arith.constant 0 : i32
      %dma_start3A_315 = tpu.memref_slice %arg7[%arg1, %rem3A_299, %dma_start3A_313, %dma_start3A_314] : memref<16x3x128x128xf32, #tpu.memory_space<vmem_shared>> -> memref<1x1x128x128xf32, #tpu.memory_space<vmem_shared>>
      %dma_start3A_316 = tpu.memref_squeeze %dma_start3A_315 : memref<1x1x128x128xf32, #tpu.memory_space<vmem_shared>> -> memref<128x128xf32, #tpu.memory_space<vmem_shared>>
      %dma_start3A_317 = arith.constant 0 : i32
      %dma_start3A_318 = arith.constant 0 : i32
      %dma_start3A_319 = tpu.memref_slice %arg7[%arg1, %rem3A_299, %dma_start3A_317, %dma_start3A_318] : memref<16x3x128x128xf32, #tpu.memory_space<vmem_shared>> -> memref<1x1x128x128xf32, #tpu.memory_space<vmem_shared>>
      %dma_start3A_320 = tpu.memref_squeeze %dma_start3A_319 : memref<1x1x128x128xf32, #tpu.memory_space<vmem_shared>> -> memref<128x128xf32, #tpu.memory_space<vmem_shared>>
      %dma_start3A_321 = arith.constant 0 : i32
      %dma_start3A_322 = arith.constant 0 : i32
      %dma_start3A_323 = tpu.memref_slice %arg6[%rem3A_299, %dma_start3A_321, %dma_start3A_322] : memref<3x128x128xf32, #tpu.memory_space<vmem>> -> memref<1x128x128xf32, #tpu.memory_space<vmem>>
      %dma_start3A_324 = tpu.memref_squeeze %dma_start3A_323 : memref<1x128x128xf32, #tpu.memory_space<vmem>> -> memref<128x128xf32, #tpu.memory_space<vmem>>
      tpu.enqueue_dma source(%dma_start3A_324 : memref<128x128xf32, #tpu.memory_space<vmem>>) target(%dma_start3A_320 : memref<128x128xf32, #tpu.memory_space<vmem_shared>>) target_semaphore(%arg9 : memref<!tpu.dma_semaphore, #tpu.memory_space<semaphore_mem>>)
      %sub3A = arith.constant 1 : i32
      %sub3A_325 = arith.subi %scan3A_298, %sub3A : i32
      %rem3A_326 = arith.constant 3 : i32
      %rem3A_327 = arith.remsi %sub3A_325, %rem3A_326 : i32
      %dma_wait3A_328 = arith.constant 0 : i32
      %dma_wait3A_329 = arith.constant 0 : i32
      %dma_wait3A_330 = tpu.memref_slice %arg6[%rem3A_327, %dma_wait3A_328, %dma_wait3A_329] : memref<3x128x128xf32, #tpu.memory_space<vmem>> -> memref<1x128x128xf32, #tpu.memory_space<vmem>>
      %dma_wait3A_331 = tpu.memref_squeeze %dma_wait3A_330 : memref<1x128x128xf32, #tpu.memory_space<vmem>> -> memref<128x128xf32, #tpu.memory_space<vmem>>
      %dma_wait3A_332 = arith.constant 0 : i32
      %dma_wait3A_333 = arith.constant 0 : i32
      %dma_wait3A_334 = tpu.memref_slice %arg7[%arg1, %rem3A_327, %dma_wait3A_332, %dma_wait3A_333] : memref<16x3x128x128xf32, #tpu.memory_space<vmem_shared>> -> memref<1x1x128x128xf32, #tpu.memory_space<vmem_shared>>
      %dma_wait3A_335 = tpu.memref_squeeze %dma_wait3A_334 : memref<1x1x128x128xf32, #tpu.memory_space<vmem_shared>> -> memref<128x128xf32, #tpu.memory_space<vmem_shared>>
      %dma_wait3A_336 = arith.constant 0 : i32
      %dma_wait3A_337 = arith.constant 0 : i32
      %dma_wait3A_338 = tpu.memref_slice %arg7[%arg1, %rem3A_327, %dma_wait3A_336, %dma_wait3A_337] : memref<16x3x128x128xf32, #tpu.memory_space<vmem_shared>> -> memref<1x1x128x128xf32, #tpu.memory_space<vmem_shared>>
      %dma_wait3A_339 = tpu.memref_squeeze %dma_wait3A_338 : memref<1x1x128x128xf32, #tpu.memory_space<vmem_shared>> -> memref<128x128xf32, #tpu.memory_space<vmem_shared>>
      %dma_wait3A_340 = arith.constant 0 : i32
      %dma_wait3A_341 = arith.constant 0 : i32
      %dma_wait3A_342 = tpu.memref_slice %arg6[%rem3A_327, %dma_wait3A_340, %dma_wait3A_341] : memref<3x128x128xf32, #tpu.memory_space<vmem>> -> memref<1x128x128xf32, #tpu.memory_space<vmem>>
      %dma_wait3A_343 = tpu.memref_squeeze %dma_wait3A_342 : memref<1x128x128xf32, #tpu.memory_space<vmem>> -> memref<128x128xf32, #tpu.memory_space<vmem>>
      tpu.wait_dma2 semaphore(%arg9 : memref<!tpu.dma_semaphore, #tpu.memory_space<semaphore_mem>>) src(%dma_wait3A_343 : memref<128x128xf32, #tpu.memory_space<vmem>>) dst(%dma_wait3A_339 : memref<128x128xf32, #tpu.memory_space<vmem_shared>>)
      %sub3A_344 = arith.constant 1 : i32
      %sub3A_345 = arith.subi %scan3A_298, %sub3A_344 : i32
      %mul3A_346 = arith.constant 128 : i32
      %mul3A_347 = arith.muli %sub3A_345, %mul3A_346 : i32
      %add3A_348 = arith.addi %mul3A_2, %mul3A_347 : i32
      %dma_start3A_349 = arith.constant 0 : i32
      %dma_start3A_350 = tpu.memref_slice %arg4[%add3A_348, %dma_start3A_349] : memref<819200x128xf32, #tpu.memory_space<hbm>> -> memref<128x128xf32, #tpu.memory_space<hbm>>
      %dma_start3A_351 = arith.constant 0 : i32
      %dma_start3A_352 = arith.constant 0 : i32
      %dma_start3A_353 = tpu.memref_slice %arg7[%arg1, %rem3A_327, %dma_start3A_351, %dma_start3A_352] : memref<16x3x128x128xf32, #tpu.memory_space<vmem_shared>> -> memref<1x1x128x128xf32, #tpu.memory_space<vmem_shared>>
      %dma_start3A_354 = tpu.memref_squeeze %dma_start3A_353 : memref<1x1x128x128xf32, #tpu.memory_space<vmem_shared>> -> memref<128x128xf32, #tpu.memory_space<vmem_shared>>
      tpu.enqueue_dma source(%dma_start3A_354 : memref<128x128xf32, #tpu.memory_space<vmem_shared>>) target(%dma_start3A_350 : memref<128x128xf32, #tpu.memory_space<hbm>>) target_semaphore(%arg10 : memref<!tpu.dma_semaphore, #tpu.memory_space<semaphore_mem>>)
      %add3A_355 = arith.constant 2 : i32
      %add3A_356 = arith.addi %scan3A_298, %add3A_355 : i32
      %mul3A_357 = arith.constant 128 : i32
      %mul3A_358 = arith.muli %add3A_356, %mul3A_357 : i32
      %dma_start3A_359 = arith.constant 0 : i32
      %dma_start3A_360 = arith.constant 0 : i32
      %dma_start3A_361 = tpu.memref_slice %arg6[%rem3A_327, %dma_start3A_359, %dma_start3A_360] : memref<3x128x128xf32, #tpu.memory_space<vmem>> -> memref<1x128x128xf32, #tpu.memory_space<vmem>>
      %dma_start3A_362 = tpu.memref_squeeze %dma_start3A_361 : memref<1x128x128xf32, #tpu.memory_space<vmem>> -> memref<128x128xf32, #tpu.memory_space<vmem>>
      %dma_start3A_363 = tpu.memref_slice %arg5[%mul3A_358] : memref<25600xi32, #tpu.memory_space<vmem>> -> memref<128xi32, #tpu.memory_space<vmem>>
      %dma_start3A_364 = arith.constant 0 : i32
      %dma_start3A_365 = arith.constant 0 : i32
      %dma_start3A_366 = tpu.memref_slice %arg3[%dma_start3A_364, %dma_start3A_365] : memref<100000x128xf32, #tpu.memory_space<hbm>> -> memref<100000x128xf32, #tpu.memory_space<hbm>>
      tpu.enqueue_indirect_dma source(%dma_start3A_366 : memref<100000x128xf32, #tpu.memory_space<hbm>>) target(%dma_start3A_362 : memref<128x128xf32, #tpu.memory_space<vmem>>) offsets(%dma_start3A_363 : memref<128xi32, #tpu.memory_space<vmem>>) semaphore(%arg8 : memref<!tpu.dma_semaphore, #tpu.memory_space<semaphore_mem>>)
      %sub3A_367 = arith.constant 2 : i32
      %sub3A_368 = arith.subi %scan3A_298, %sub3A_367 : i32
      %rem3A_369 = arith.constant 3 : i32
      %rem3A_370 = arith.remsi %sub3A_368, %rem3A_369 : i32
      %dma_wait3A_371 = arith.constant 0 : i32
      %dma_wait3A_372 = arith.constant 0 : i32
      %dma_wait3A_373 = tpu.memref_slice %arg4[%dma_wait3A_371, %dma_wait3A_372] : memref<819200x128xf32, #tpu.memory_space<hbm>> -> memref<128x128xf32, #tpu.memory_space<hbm>>
      %dma_wait3A_374 = arith.constant 0 : i32
      %dma_wait3A_375 = arith.constant 0 : i32
      %dma_wait3A_376 = tpu.memref_slice %arg7[%arg1, %rem3A_370, %dma_wait3A_374, %dma_wait3A_375] : memref<16x3x128x128xf32, #tpu.memory_space<vmem_shared>> -> memref<1x1x128x128xf32, #tpu.memory_space<vmem_shared>>
      %dma_wait3A_377 = tpu.memref_squeeze %dma_wait3A_376 : memref<1x1x128x128xf32, #tpu.memory_space<vmem_shared>> -> memref<128x128xf32, #tpu.memory_space<vmem_shared>>
      tpu.wait_dma2 semaphore(%arg10 : memref<!tpu.dma_semaphore, #tpu.memory_space<semaphore_mem>>) src(%dma_wait3A_377 : memref<128x128xf32, #tpu.memory_space<vmem_shared>>) dst(%dma_wait3A_373 : memref<128x128xf32, #tpu.memory_space<hbm>>)
    }
    %scan3A_128 = arith.constant 196 : i32
    %dma_wait3A_129 = arith.constant 0 : i32
    %dma_wait3A_130 = arith.constant 0 : i32
    %dma_wait3A_131 = arith.constant 0 : i32
    %dma_wait3A_132 = tpu.memref_slice %arg6[%dma_wait3A_129, %dma_wait3A_130, %dma_wait3A_131] : memref<3x128x128xf32, #tpu.memory_space<vmem>> -> memref<1x128x128xf32, #tpu.memory_space<vmem>>
    %dma_wait3A_133 = tpu.memref_squeeze %dma_wait3A_132 : memref<1x128x128xf32, #tpu.memory_space<vmem>> -> memref<128x128xf32, #tpu.memory_space<vmem>>
    %dma_wait3A_134 = arith.constant 0 : i32
    %dma_wait3A_135 = tpu.memref_slice %arg5[%dma_wait3A_134] : memref<25600xi32, #tpu.memory_space<vmem>> -> memref<128xi32, #tpu.memory_space<vmem>>
    %dma_wait3A_136 = arith.constant 0 : i32
    %dma_wait3A_137 = arith.constant 0 : i32
    %dma_wait3A_138 = tpu.memref_slice %arg3[%dma_wait3A_136, %dma_wait3A_137] : memref<100000x128xf32, #tpu.memory_space<hbm>> -> memref<100000x128xf32, #tpu.memory_space<hbm>>
    tpu.wait_indirect_dma semaphore(%arg8 : memref<!tpu.dma_semaphore, #tpu.memory_space<semaphore_mem>>) src(%dma_wait3A_138 : memref<100000x128xf32, #tpu.memory_space<hbm>>) dst(%dma_wait3A_133 : memref<128x128xf32, #tpu.memory_space<vmem>>)
    %dma_start3A_139 = arith.constant 0 : i32
    %dma_start3A_140 = arith.constant 0 : i32
    %dma_start3A_141 = arith.constant 0 : i32
    %dma_start3A_142 = arith.constant 0 : i32
    %dma_start3A_143 = tpu.memref_slice %arg6[%dma_start3A_139, %dma_start3A_141, %dma_start3A_142] : memref<3x128x128xf32, #tpu.memory_space<vmem>> -> memref<1x128x128xf32, #tpu.memory_space<vmem>>
    %dma_start3A_144 = tpu.memref_squeeze %dma_start3A_143 : memref<1x128x128xf32, #tpu.memory_space<vmem>> -> memref<128x128xf32, #tpu.memory_space<vmem>>
    %dma_start3A_145 = arith.constant 0 : i32
    %dma_start3A_146 = arith.constant 0 : i32
    %dma_start3A_147 = tpu.memref_slice %arg7[%arg1, %dma_start3A_140, %dma_start3A_145, %dma_start3A_146] : memref<16x3x128x128xf32, #tpu.memory_space<vmem_shared>> -> memref<1x1x128x128xf32, #tpu.memory_space<vmem_shared>>
    %dma_start3A_148 = tpu.memref_squeeze %dma_start3A_147 : memref<1x1x128x128xf32, #tpu.memory_space<vmem_shared>> -> memref<128x128xf32, #tpu.memory_space<vmem_shared>>
    %dma_start3A_149 = arith.constant 0 : i32
    %dma_start3A_150 = arith.constant 0 : i32
    %dma_start3A_151 = tpu.memref_slice %arg7[%arg1, %dma_start3A_140, %dma_start3A_149, %dma_start3A_150] : memref<16x3x128x128xf32, #tpu.memory_space<vmem_shared>> -> memref<1x1x128x128xf32, #tpu.memory_space<vmem_shared>>
    %dma_start3A_152 = tpu.memref_squeeze %dma_start3A_151 : memref<1x1x128x128xf32, #tpu.memory_space<vmem_shared>> -> memref<128x128xf32, #tpu.memory_space<vmem_shared>>
    %dma_start3A_153 = arith.constant 0 : i32
    %dma_start3A_154 = arith.constant 0 : i32
    %dma_start3A_155 = tpu.memref_slice %arg6[%dma_start3A_139, %dma_start3A_153, %dma_start3A_154] : memref<3x128x128xf32, #tpu.memory_space<vmem>> -> memref<1x128x128xf32, #tpu.memory_space<vmem>>
    %dma_start3A_156 = tpu.memref_squeeze %dma_start3A_155 : memref<1x128x128xf32, #tpu.memory_space<vmem>> -> memref<128x128xf32, #tpu.memory_space<vmem>>
    tpu.enqueue_dma source(%dma_start3A_156 : memref<128x128xf32, #tpu.memory_space<vmem>>) target(%dma_start3A_152 : memref<128x128xf32, #tpu.memory_space<vmem_shared>>) target_semaphore(%arg9 : memref<!tpu.dma_semaphore, #tpu.memory_space<semaphore_mem>>)
    %dma_wait3A_157 = arith.constant 2 : i32
    %dma_wait3A_158 = arith.constant 2 : i32
    %dma_wait3A_159 = arith.constant 0 : i32
    %dma_wait3A_160 = arith.constant 0 : i32
    %dma_wait3A_161 = tpu.memref_slice %arg6[%dma_wait3A_157, %dma_wait3A_159, %dma_wait3A_160] : memref<3x128x128xf32, #tpu.memory_space<vmem>> -> memref<1x128x128xf32, #tpu.memory_space<vmem>>
    %dma_wait3A_162 = tpu.memref_squeeze %dma_wait3A_161 : memref<1x128x128xf32, #tpu.memory_space<vmem>> -> memref<128x128xf32, #tpu.memory_space<vmem>>
    %dma_wait3A_163 = arith.constant 0 : i32
    %dma_wait3A_164 = arith.constant 0 : i32
    %dma_wait3A_165 = tpu.memref_slice %arg7[%arg1, %dma_wait3A_158, %dma_wait3A_163, %dma_wait3A_164] : memref<16x3x128x128xf32, #tpu.memory_space<vmem_shared>> -> memref<1x1x128x128xf32, #tpu.memory_space<vmem_shared>>
    %dma_wait3A_166 = tpu.memref_squeeze %dma_wait3A_165 : memref<1x1x128x128xf32, #tpu.memory_space<vmem_shared>> -> memref<128x128xf32, #tpu.memory_space<vmem_shared>>
    %dma_wait3A_167 = arith.constant 0 : i32
    %dma_wait3A_168 = arith.constant 0 : i32
    %dma_wait3A_169 = tpu.memref_slice %arg7[%arg1, %dma_wait3A_158, %dma_wait3A_167, %dma_wait3A_168] : memref<16x3x128x128xf32, #tpu.memory_space<vmem_shared>> -> memref<1x1x128x128xf32, #tpu.memory_space<vmem_shared>>
    %dma_wait3A_170 = tpu.memref_squeeze %dma_wait3A_169 : memref<1x1x128x128xf32, #tpu.memory_space<vmem_shared>> -> memref<128x128xf32, #tpu.memory_space<vmem_shared>>
    %dma_wait3A_171 = arith.constant 0 : i32
    %dma_wait3A_172 = arith.constant 0 : i32
    %dma_wait3A_173 = tpu.memref_slice %arg6[%dma_wait3A_157, %dma_wait3A_171, %dma_wait3A_172] : memref<3x128x128xf32, #tpu.memory_space<vmem>> -> memref<1x128x128xf32, #tpu.memory_space<vmem>>
    %dma_wait3A_174 = tpu.memref_squeeze %dma_wait3A_173 : memref<1x128x128xf32, #tpu.memory_space<vmem>> -> memref<128x128xf32, #tpu.memory_space<vmem>>
    tpu.wait_dma2 semaphore(%arg9 : memref<!tpu.dma_semaphore, #tpu.memory_space<semaphore_mem>>) src(%dma_wait3A_174 : memref<128x128xf32, #tpu.memory_space<vmem>>) dst(%dma_wait3A_170 : memref<128x128xf32, #tpu.memory_space<vmem_shared>>)
    %add3A_175 = arith.constant 25216 : i32
    %add3A_176 = arith.addi %mul3A_2, %add3A_175 : i32
    %dma_start3A_177 = arith.constant 2 : i32
    %dma_start3A_178 = arith.constant 0 : i32
    %dma_start3A_179 = tpu.memref_slice %arg4[%add3A_176, %dma_start3A_178] : memref<819200x128xf32, #tpu.memory_space<hbm>> -> memref<128x128xf32, #tpu.memory_space<hbm>>
    %dma_start3A_180 = arith.constant 0 : i32
    %dma_start3A_181 = arith.constant 0 : i32
    %dma_start3A_182 = tpu.memref_slice %arg7[%arg1, %dma_start3A_177, %dma_start3A_180, %dma_start3A_181] : memref<16x3x128x128xf32, #tpu.memory_space<vmem_shared>> -> memref<1x1x128x128xf32, #tpu.memory_space<vmem_shared>>
    %dma_start3A_183 = tpu.memref_squeeze %dma_start3A_182 : memref<1x1x128x128xf32, #tpu.memory_space<vmem_shared>> -> memref<128x128xf32, #tpu.memory_space<vmem_shared>>
    tpu.enqueue_dma source(%dma_start3A_183 : memref<128x128xf32, #tpu.memory_space<vmem_shared>>) target(%dma_start3A_179 : memref<128x128xf32, #tpu.memory_space<hbm>>) target_semaphore(%arg10 : memref<!tpu.dma_semaphore, #tpu.memory_space<semaphore_mem>>)
    %dma_wait3A_184 = arith.constant 1 : i32
    %dma_wait3A_185 = arith.constant 0 : i32
    %dma_wait3A_186 = arith.constant 0 : i32
    %dma_wait3A_187 = tpu.memref_slice %arg4[%dma_wait3A_185, %dma_wait3A_186] : memref<819200x128xf32, #tpu.memory_space<hbm>> -> memref<128x128xf32, #tpu.memory_space<hbm>>
    %dma_wait3A_188 = arith.constant 0 : i32
    %dma_wait3A_189 = arith.constant 0 : i32
    %dma_wait3A_190 = tpu.memref_slice %arg7[%arg1, %dma_wait3A_184, %dma_wait3A_188, %dma_wait3A_189] : memref<16x3x128x128xf32, #tpu.memory_space<vmem_shared>> -> memref<1x1x128x128xf32, #tpu.memory_space<vmem_shared>>
    %dma_wait3A_191 = tpu.memref_squeeze %dma_wait3A_190 : memref<1x1x128x128xf32, #tpu.memory_space<vmem_shared>> -> memref<128x128xf32, #tpu.memory_space<vmem_shared>>
    tpu.wait_dma2 semaphore(%arg10 : memref<!tpu.dma_semaphore, #tpu.memory_space<semaphore_mem>>) src(%dma_wait3A_191 : memref<128x128xf32, #tpu.memory_space<vmem_shared>>) dst(%dma_wait3A_187 : memref<128x128xf32, #tpu.memory_space<hbm>>)
    %dma_wait3A_192 = arith.constant 1 : i32
    %dma_wait3A_193 = arith.constant 0 : i32
    %dma_wait3A_194 = arith.constant 0 : i32
    %dma_wait3A_195 = tpu.memref_slice %arg6[%dma_wait3A_192, %dma_wait3A_193, %dma_wait3A_194] : memref<3x128x128xf32, #tpu.memory_space<vmem>> -> memref<1x128x128xf32, #tpu.memory_space<vmem>>
    %dma_wait3A_196 = tpu.memref_squeeze %dma_wait3A_195 : memref<1x128x128xf32, #tpu.memory_space<vmem>> -> memref<128x128xf32, #tpu.memory_space<vmem>>
    %dma_wait3A_197 = arith.constant 0 : i32
    %dma_wait3A_198 = tpu.memref_slice %arg5[%dma_wait3A_197] : memref<25600xi32, #tpu.memory_space<vmem>> -> memref<128xi32, #tpu.memory_space<vmem>>
    %dma_wait3A_199 = arith.constant 0 : i32
    %dma_wait3A_200 = arith.constant 0 : i32
    %dma_wait3A_201 = tpu.memref_slice %arg3[%dma_wait3A_199, %dma_wait3A_200] : memref<100000x128xf32, #tpu.memory_space<hbm>> -> memref<100000x128xf32, #tpu.memory_space<hbm>>
    tpu.wait_indirect_dma semaphore(%arg8 : memref<!tpu.dma_semaphore, #tpu.memory_space<semaphore_mem>>) src(%dma_wait3A_201 : memref<100000x128xf32, #tpu.memory_space<hbm>>) dst(%dma_wait3A_196 : memref<128x128xf32, #tpu.memory_space<vmem>>)
    %dma_start3A_202 = arith.constant 1 : i32
    %dma_start3A_203 = arith.constant 1 : i32
    %dma_start3A_204 = arith.constant 0 : i32
    %dma_start3A_205 = arith.constant 0 : i32
    %dma_start3A_206 = tpu.memref_slice %arg6[%dma_start3A_202, %dma_start3A_204, %dma_start3A_205] : memref<3x128x128xf32, #tpu.memory_space<vmem>> -> memref<1x128x128xf32, #tpu.memory_space<vmem>>
    %dma_start3A_207 = tpu.memref_squeeze %dma_start3A_206 : memref<1x128x128xf32, #tpu.memory_space<vmem>> -> memref<128x128xf32, #tpu.memory_space<vmem>>
    %dma_start3A_208 = arith.constant 0 : i32
    %dma_start3A_209 = arith.constant 0 : i32
    %dma_start3A_210 = tpu.memref_slice %arg7[%arg1, %dma_start3A_203, %dma_start3A_208, %dma_start3A_209] : memref<16x3x128x128xf32, #tpu.memory_space<vmem_shared>> -> memref<1x1x128x128xf32, #tpu.memory_space<vmem_shared>>
    %dma_start3A_211 = tpu.memref_squeeze %dma_start3A_210 : memref<1x1x128x128xf32, #tpu.memory_space<vmem_shared>> -> memref<128x128xf32, #tpu.memory_space<vmem_shared>>
    %dma_start3A_212 = arith.constant 0 : i32
    %dma_start3A_213 = arith.constant 0 : i32
    %dma_start3A_214 = tpu.memref_slice %arg7[%arg1, %dma_start3A_203, %dma_start3A_212, %dma_start3A_213] : memref<16x3x128x128xf32, #tpu.memory_space<vmem_shared>> -> memref<1x1x128x128xf32, #tpu.memory_space<vmem_shared>>
    %dma_start3A_215 = tpu.memref_squeeze %dma_start3A_214 : memref<1x1x128x128xf32, #tpu.memory_space<vmem_shared>> -> memref<128x128xf32, #tpu.memory_space<vmem_shared>>
    %dma_start3A_216 = arith.constant 0 : i32
    %dma_start3A_217 = arith.constant 0 : i32
    %dma_start3A_218 = tpu.memref_slice %arg6[%dma_start3A_202, %dma_start3A_216, %dma_start3A_217] : memref<3x128x128xf32, #tpu.memory_space<vmem>> -> memref<1x128x128xf32, #tpu.memory_space<vmem>>
    %dma_start3A_219 = tpu.memref_squeeze %dma_start3A_218 : memref<1x128x128xf32, #tpu.memory_space<vmem>> -> memref<128x128xf32, #tpu.memory_space<vmem>>
    tpu.enqueue_dma source(%dma_start3A_219 : memref<128x128xf32, #tpu.memory_space<vmem>>) target(%dma_start3A_215 : memref<128x128xf32, #tpu.memory_space<vmem_shared>>) target_semaphore(%arg9 : memref<!tpu.dma_semaphore, #tpu.memory_space<semaphore_mem>>)
    %dma_wait3A_220 = arith.constant 0 : i32
    %dma_wait3A_221 = arith.constant 0 : i32
    %dma_wait3A_222 = arith.constant 0 : i32
    %dma_wait3A_223 = arith.constant 0 : i32
    %dma_wait3A_224 = tpu.memref_slice %arg6[%dma_wait3A_220, %dma_wait3A_222, %dma_wait3A_223] : memref<3x128x128xf32, #tpu.memory_space<vmem>> -> memref<1x128x128xf32, #tpu.memory_space<vmem>>
    %dma_wait3A_225 = tpu.memref_squeeze %dma_wait3A_224 : memref<1x128x128xf32, #tpu.memory_space<vmem>> -> memref<128x128xf32, #tpu.memory_space<vmem>>
    %dma_wait3A_226 = arith.constant 0 : i32
    %dma_wait3A_227 = arith.constant 0 : i32
    %dma_wait3A_228 = tpu.memref_slice %arg7[%arg1, %dma_wait3A_221, %dma_wait3A_226, %dma_wait3A_227] : memref<16x3x128x128xf32, #tpu.memory_space<vmem_shared>> -> memref<1x1x128x128xf32, #tpu.memory_space<vmem_shared>>
    %dma_wait3A_229 = tpu.memref_squeeze %dma_wait3A_228 : memref<1x1x128x128xf32, #tpu.memory_space<vmem_shared>> -> memref<128x128xf32, #tpu.memory_space<vmem_shared>>
    %dma_wait3A_230 = arith.constant 0 : i32
    %dma_wait3A_231 = arith.constant 0 : i32
    %dma_wait3A_232 = tpu.memref_slice %arg7[%arg1, %dma_wait3A_221, %dma_wait3A_230, %dma_wait3A_231] : memref<16x3x128x128xf32, #tpu.memory_space<vmem_shared>> -> memref<1x1x128x128xf32, #tpu.memory_space<vmem_shared>>
    %dma_wait3A_233 = tpu.memref_squeeze %dma_wait3A_232 : memref<1x1x128x128xf32, #tpu.memory_space<vmem_shared>> -> memref<128x128xf32, #tpu.memory_space<vmem_shared>>
    %dma_wait3A_234 = arith.constant 0 : i32
    %dma_wait3A_235 = arith.constant 0 : i32
    %dma_wait3A_236 = tpu.memref_slice %arg6[%dma_wait3A_220, %dma_wait3A_234, %dma_wait3A_235] : memref<3x128x128xf32, #tpu.memory_space<vmem>> -> memref<1x128x128xf32, #tpu.memory_space<vmem>>
    %dma_wait3A_237 = tpu.memref_squeeze %dma_wait3A_236 : memref<1x128x128xf32, #tpu.memory_space<vmem>> -> memref<128x128xf32, #tpu.memory_space<vmem>>
    tpu.wait_dma2 semaphore(%arg9 : memref<!tpu.dma_semaphore, #tpu.memory_space<semaphore_mem>>) src(%dma_wait3A_237 : memref<128x128xf32, #tpu.memory_space<vmem>>) dst(%dma_wait3A_233 : memref<128x128xf32, #tpu.memory_space<vmem_shared>>)
    %add3A_238 = arith.constant 25344 : i32
    %add3A_239 = arith.addi %mul3A_2, %add3A_238 : i32
    %dma_start3A_240 = arith.constant 0 : i32
    %dma_start3A_241 = arith.constant 0 : i32
    %dma_start3A_242 = tpu.memref_slice %arg4[%add3A_239, %dma_start3A_241] : memref<819200x128xf32, #tpu.memory_space<hbm>> -> memref<128x128xf32, #tpu.memory_space<hbm>>
    %dma_start3A_243 = arith.constant 0 : i32
    %dma_start3A_244 = arith.constant 0 : i32
    %dma_start3A_245 = tpu.memref_slice %arg7[%arg1, %dma_start3A_240, %dma_start3A_243, %dma_start3A_244] : memref<16x3x128x128xf32, #tpu.memory_space<vmem_shared>> -> memref<1x1x128x128xf32, #tpu.memory_space<vmem_shared>>
    %dma_start3A_246 = tpu.memref_squeeze %dma_start3A_245 : memref<1x1x128x128xf32, #tpu.memory_space<vmem_shared>> -> memref<128x128xf32, #tpu.memory_space<vmem_shared>>
    tpu.enqueue_dma source(%dma_start3A_246 : memref<128x128xf32, #tpu.memory_space<vmem_shared>>) target(%dma_start3A_242 : memref<128x128xf32, #tpu.memory_space<hbm>>) target_semaphore(%arg10 : memref<!tpu.dma_semaphore, #tpu.memory_space<semaphore_mem>>)
    %dma_wait3A_247 = arith.constant 2 : i32
    %dma_wait3A_248 = arith.constant 0 : i32
    %dma_wait3A_249 = arith.constant 0 : i32
    %dma_wait3A_250 = tpu.memref_slice %arg4[%dma_wait3A_248, %dma_wait3A_249] : memref<819200x128xf32, #tpu.memory_space<hbm>> -> memref<128x128xf32, #tpu.memory_space<hbm>>
    %dma_wait3A_251 = arith.constant 0 : i32
    %dma_wait3A_252 = arith.constant 0 : i32
    %dma_wait3A_253 = tpu.memref_slice %arg7[%arg1, %dma_wait3A_247, %dma_wait3A_251, %dma_wait3A_252] : memref<16x3x128x128xf32, #tpu.memory_space<vmem_shared>> -> memref<1x1x128x128xf32, #tpu.memory_space<vmem_shared>>
    %dma_wait3A_254 = tpu.memref_squeeze %dma_wait3A_253 : memref<1x1x128x128xf32, #tpu.memory_space<vmem_shared>> -> memref<128x128xf32, #tpu.memory_space<vmem_shared>>
    tpu.wait_dma2 semaphore(%arg10 : memref<!tpu.dma_semaphore, #tpu.memory_space<semaphore_mem>>) src(%dma_wait3A_254 : memref<128x128xf32, #tpu.memory_space<vmem_shared>>) dst(%dma_wait3A_250 : memref<128x128xf32, #tpu.memory_space<hbm>>)
    %dma_wait3A_255 = arith.constant 1 : i32
    %dma_wait3A_256 = arith.constant 1 : i32
    %dma_wait3A_257 = arith.constant 0 : i32
    %dma_wait3A_258 = arith.constant 0 : i32
    %dma_wait3A_259 = tpu.memref_slice %arg6[%dma_wait3A_255, %dma_wait3A_257, %dma_wait3A_258] : memref<3x128x128xf32, #tpu.memory_space<vmem>> -> memref<1x128x128xf32, #tpu.memory_space<vmem>>
    %dma_wait3A_260 = tpu.memref_squeeze %dma_wait3A_259 : memref<1x128x128xf32, #tpu.memory_space<vmem>> -> memref<128x128xf32, #tpu.memory_space<vmem>>
    %dma_wait3A_261 = arith.constant 0 : i32
    %dma_wait3A_262 = arith.constant 0 : i32
    %dma_wait3A_263 = tpu.memref_slice %arg7[%arg1, %dma_wait3A_256, %dma_wait3A_261, %dma_wait3A_262] : memref<16x3x128x128xf32, #tpu.memory_space<vmem_shared>> -> memref<1x1x128x128xf32, #tpu.memory_space<vmem_shared>>
    %dma_wait3A_264 = tpu.memref_squeeze %dma_wait3A_263 : memref<1x1x128x128xf32, #tpu.memory_space<vmem_shared>> -> memref<128x128xf32, #tpu.memory_space<vmem_shared>>
    %dma_wait3A_265 = arith.constant 0 : i32
    %dma_wait3A_266 = arith.constant 0 : i32
    %dma_wait3A_267 = tpu.memref_slice %arg7[%arg1, %dma_wait3A_256, %dma_wait3A_265, %dma_wait3A_266] : memref<16x3x128x128xf32, #tpu.memory_space<vmem_shared>> -> memref<1x1x128x128xf32, #tpu.memory_space<vmem_shared>>
    %dma_wait3A_268 = tpu.memref_squeeze %dma_wait3A_267 : memref<1x1x128x128xf32, #tpu.memory_space<vmem_shared>> -> memref<128x128xf32, #tpu.memory_space<vmem_shared>>
    %dma_wait3A_269 = arith.constant 0 : i32
    %dma_wait3A_270 = arith.constant 0 : i32
    %dma_wait3A_271 = tpu.memref_slice %arg6[%dma_wait3A_255, %dma_wait3A_269, %dma_wait3A_270] : memref<3x128x128xf32, #tpu.memory_space<vmem>> -> memref<1x128x128xf32, #tpu.memory_space<vmem>>
    %dma_wait3A_272 = tpu.memref_squeeze %dma_wait3A_271 : memref<1x128x128xf32, #tpu.memory_space<vmem>> -> memref<128x128xf32, #tpu.memory_space<vmem>>
    tpu.wait_dma2 semaphore(%arg9 : memref<!tpu.dma_semaphore, #tpu.memory_space<semaphore_mem>>) src(%dma_wait3A_272 : memref<128x128xf32, #tpu.memory_space<vmem>>) dst(%dma_wait3A_268 : memref<128x128xf32, #tpu.memory_space<vmem_shared>>)
    %add3A_273 = arith.constant 25472 : i32
    %add3A_274 = arith.addi %mul3A_2, %add3A_273 : i32
    %dma_start3A_275 = arith.constant 1 : i32
    %dma_start3A_276 = arith.constant 0 : i32
    %dma_start3A_277 = tpu.memref_slice %arg4[%add3A_274, %dma_start3A_276] : memref<819200x128xf32, #tpu.memory_space<hbm>> -> memref<128x128xf32, #tpu.memory_space<hbm>>
    %dma_start3A_278 = arith.constant 0 : i32
    %dma_start3A_279 = arith.constant 0 : i32
    %dma_start3A_280 = tpu.memref_slice %arg7[%arg1, %dma_start3A_275, %dma_start3A_278, %dma_start3A_279] : memref<16x3x128x128xf32, #tpu.memory_space<vmem_shared>> -> memref<1x1x128x128xf32, #tpu.memory_space<vmem_shared>>
    %dma_start3A_281 = tpu.memref_squeeze %dma_start3A_280 : memref<1x1x128x128xf32, #tpu.memory_space<vmem_shared>> -> memref<128x128xf32, #tpu.memory_space<vmem_shared>>
    tpu.enqueue_dma source(%dma_start3A_281 : memref<128x128xf32, #tpu.memory_space<vmem_shared>>) target(%dma_start3A_277 : memref<128x128xf32, #tpu.memory_space<hbm>>) target_semaphore(%arg10 : memref<!tpu.dma_semaphore, #tpu.memory_space<semaphore_mem>>)
    %dma_wait3A_282 = arith.constant 0 : i32
    %dma_wait3A_283 = arith.constant 0 : i32
    %dma_wait3A_284 = arith.constant 0 : i32
    %dma_wait3A_285 = tpu.memref_slice %arg4[%dma_wait3A_283, %dma_wait3A_284] : memref<819200x128xf32, #tpu.memory_space<hbm>> -> memref<128x128xf32, #tpu.memory_space<hbm>>
    %dma_wait3A_286 = arith.constant 0 : i32
    %dma_wait3A_287 = arith.constant 0 : i32
    %dma_wait3A_288 = tpu.memref_slice %arg7[%arg1, %dma_wait3A_282, %dma_wait3A_286, %dma_wait3A_287] : memref<16x3x128x128xf32, #tpu.memory_space<vmem_shared>> -> memref<1x1x128x128xf32, #tpu.memory_space<vmem_shared>>
    %dma_wait3A_289 = tpu.memref_squeeze %dma_wait3A_288 : memref<1x1x128x128xf32, #tpu.memory_space<vmem_shared>> -> memref<128x128xf32, #tpu.memory_space<vmem_shared>>
    tpu.wait_dma2 semaphore(%arg10 : memref<!tpu.dma_semaphore, #tpu.memory_space<semaphore_mem>>) src(%dma_wait3A_289 : memref<128x128xf32, #tpu.memory_space<vmem_shared>>) dst(%dma_wait3A_285 : memref<128x128xf32, #tpu.memory_space<hbm>>)
    %dma_wait3A_290 = arith.constant 1 : i32
    %dma_wait3A_291 = arith.constant 0 : i32
    %dma_wait3A_292 = arith.constant 0 : i32
    %dma_wait3A_293 = tpu.memref_slice %arg4[%dma_wait3A_291, %dma_wait3A_292] : memref<819200x128xf32, #tpu.memory_space<hbm>> -> memref<128x128xf32, #tpu.memory_space<hbm>>
    %dma_wait3A_294 = arith.constant 0 : i32
    %dma_wait3A_295 = arith.constant 0 : i32
    %dma_wait3A_296 = tpu.memref_slice %arg7[%arg1, %dma_wait3A_290, %dma_wait3A_294, %dma_wait3A_295] : memref<16x3x128x128xf32, #tpu.memory_space<vmem_shared>> -> memref<1x1x128x128xf32, #tpu.memory_space<vmem_shared>>
    %dma_wait3A_297 = tpu.memref_squeeze %dma_wait3A_296 : memref<1x1x128x128xf32, #tpu.memory_space<vmem_shared>> -> memref<128x128xf32, #tpu.memory_space<vmem_shared>>
    tpu.wait_dma2 semaphore(%arg10 : memref<!tpu.dma_semaphore, #tpu.memory_space<semaphore_mem>>) src(%dma_wait3A_297 : memref<128x128xf32, #tpu.memory_space<vmem_shared>>) dst(%dma_wait3A_293 : memref<128x128xf32, #tpu.memory_space<hbm>>)
    return
  }
}

</mosaic_0001>

<sc_bundles>
// kernel: kernel.3.cloned.1.call-start
scs
__scs_entry_jumppad:
0x0: {  	(pc) =	sbr.rel $0x88, $3  }
0x1: {  	(tag) =	ssettag $0x0;
	lr =	simm.s32 $0x1  }
0x2: {  	[smem:$0x3F9F] =	sst lr;
	_ =	strace $0xD0000000  }
0x3: {  	_ = 	snop  }
0x4: {  	_ = 	snop  }
0x5: {  	_ = 	snop  }
0x6: {  	_ = 	snop  }
0x7: {  	_ = 	snop  }
__scs_overlays_trampoline_lowered:
0x8: {  	[smem:$0x3FAE] =	sst s0  }
0x9: {  	[smem:$0x3FAF] =	sst s1  }
0xa: {  	[smem:$0x3FB0] =	sst s2  }
0xb: {  	[smem:$0x3FB1] =	sst s3  }
0xc: {  	[smem:$0x3FB2] =	sst s4  }
0xd: {  	[smem:$0x3FB3] =	sst s5  }
0xe: {  	[smem:$0x3FB4] =	sst s6  }
0xf: {  	[smem:$0x3FB5] =	sst s7  }
0x10: {  	[smem:$0x3FB6] =	sst s8  }
0x11: {  	[smem:$0x3FB7] =	sst s9;
	s0 =	simm.s32 @!p0 $0x0  }
0x12: {  	s1 =	sld [smem:$0x3F9D];
	s0 =	simm.s32 @p0 $0x1  }
0x13: {  	[smem:$0x3FB8] =	sst s0;
	s0 =	simm.s32 @!p1 $0x0  }
0x14: {  	s2 =	sld [smem:$0x3F9C];
	s0 =	simm.s32 @p1 $0x1  }
0x15: {  	[smem:$0x3FB9] =	sst s0;
	s0 =	simm.s32 @!p2 $0x0  }
0x16: {  	s3 =	sld [smem:$0x3FDB];
	s0 =	simm.s32 @p2 $0x1  }
0x17: {  	s4 =	simm.s32 $0x1BF5;
	[smem:$0x3FBB] =	sst s0  }
0x18: {  	s0 =	sld [smem:$0x3F9E];
	_ =	swait.ge [sflag:s4], $0x0  }
0x19: {  	s7 =	sld [smem:$0x3F9F]  }
0x1a: {  	s8 =	sadd.s32 $0xFFFFE003, lr  }
0x1b: {  	s9 =	sadd.s32 $0xFFFFFEF7, lr;
	s5 =	simm.s32 $0xFFFFFFFF;
	p2 =	slt.u32 s8, $0xFFFFF086  }
0x1c: {  	p1 =	slt.u32 s9, $0xF7A;
	s5 =	simm.s32 @!p2 $0x0  }
0x1d: {  	s5 =	simm.s32 @p1 $0x1;
	p0 =	seq.s32 s7, s2  }
0x1e: {  	s7 =	smul.u32 @!p0 $0xF7A, s2;
	p2 =	seq.s32 @!p0 s5, $0x0  }
0x1f: {  	s9 =	smul.u32 $0xF7A, s1;
	s8 =	simm.s32 @!p0 $0x1BF5;
	p2 =	por !p2, p0  }
0x20: {  	[sflag:s8] =	ssyncset.s32 @!p0 $0xFFFFF086;
	s6 =	sadd.s32 @!p0 s3, s7;
	s7 =	simm.s32 @!p0 $0x108  }
0x21: {  	s3 =	sadd.s32 s3, s9;
	s6 =	sadd.s32 @!p0 $0x88, s6;
	s7 =	simm.s32 @p2 $0x1082  }
0x22: {  	[simem:s7], [sflag:s8] =	dma.local @!p0 [hbm:s6], $0xF7A  }
0x23: {  	s9 =	sor.u32 $0xD0000000, s2;
	s6 =	simm.s32 $0x108;
	_ =	swait.ge @!p0 [sflag:s8], $0x0  }
0x24: {  	s3 =	sadd.s32 $0x88, s3;
	s6 =	simm.s32 @!p1 $0x1082;
	[sflag:s4] =	ssyncset.s32 $0xFFFFF086  }
0x25: {  	[simem:s6], [sflag:s4] =	dma.local [hbm:s3], $0xF7A  }
0x26: {  	[smem:$0x3F9F] =	sst s1;
	(tag) =	ssettag s2;
	_ =	strace s9  }
0x27: {  	s1 =	sld [smem:$0x3FAF]  }
0x28: {  	s2 =	sld [smem:$0x3FB0]  }
0x29: {  	s4 =	sld [smem:$0x3FB2]  }
0x2a: {  	p0 =	seq.s32 s5, $0x0;
	s5 =	sld [smem:$0x3FB3]  }
0x2b: {  	s6 =	sld [smem:$0x3FB4]  }
0x2c: {  	s7 =	sld [smem:$0x3FB5]  }
0x2d: {  	s3 =	simm.s32 $0x108;
	s8 =	sld [smem:$0x3FB6]  }
0x2e: {  	s3 =	simm.s32 @!p0 $0x1082;
	s9 =	sld [smem:$0x3FB7]  }
0x2f: {  	lr =	sadd.s32 s0, s3;
	s0 =	sld [smem:$0x3FAE]  }
0x30: {  	s3 =	sld [smem:$0x3FB1]  }
0x31: {  	[smem:$0x3FBA] =	sst s10  }
0x32: {  	s10 =	sld [smem:$0x3FB8];
	_ =	sdelay $0x3  }
0x33: {  	p0 =	seq.s32 s10, $0x1;
	s10 =	sld [smem:$0x3FBA];
	_ =	sdelay $0x3  }
0x34: {  	[smem:$0x3FBA] =	sst s10  }
0x35: {  	s10 =	sld [smem:$0x3FB9];
	_ =	sdelay $0x3  }
0x36: {  	p1 =	seq.s32 s10, $0x1;
	s10 =	sld [smem:$0x3FBA];
	_ =	sdelay $0x3  }
0x37: {  	[smem:$0x3FBA] =	sst s10  }
0x38: {  	s10 =	sld [smem:$0x3FBB]  }
0x39: {  	_ = 	snop;
	(pc) =	sbr.ind lr, $3  }
0x3a: {  	_ = 	snop  }
0x3b: {  	_ = 	snop  }
0x3c: {  	p2 =	seq.s32 s10, $0x1;
	s10 =	sld [smem:$0x3FBA]  }
0x3d: {  	_ =	shalt  }
0x3e: {  	_ =	shalt  }
0x3f: {  	_ =	shalt  }
0x40: {  	_ =	shalt  }
0x41: {  	_ =	shalt  }
0x42: {  	_ =	shalt  }
0x43: {  	_ =	shalt  }
0x44: {  	_ =	shalt  }
0x45: {  	_ =	shalt  }
0x46: {  	_ =	shalt  }
0x47: {  	_ =	shalt  }
0x48: {  	_ =	shalt  }
0x49: {  	_ =	shalt  }
0x4a: {  	_ =	shalt  }
0x4b: {  	_ =	shalt  }
0x4c: {  	_ =	shalt  }
0x4d: {  	_ =	shalt  }
0x4e: {  	_ =	shalt  }
0x4f: {  	_ =	shalt  }
0x50: {  	_ =	shalt  }
0x51: {  	_ =	shalt  }
0x52: {  	_ =	shalt  }
0x53: {  	_ =	shalt  }
0x54: {  	_ =	shalt  }
0x55: {  	_ =	shalt  }
0x56: {  	_ =	shalt  }
0x57: {  	_ =	shalt  }
0x58: {  	_ =	shalt  }
0x59: {  	_ =	shalt  }
0x5a: {  	_ =	shalt  }
0x5b: {  	_ =	shalt  }
0x5c: {  	_ =	shalt  }
0x5d: {  	_ =	shalt  }
0x5e: {  	_ =	shalt  }
0x5f: {  	_ =	shalt  }
0x60: {  	_ =	shalt  }
0x61: {  	_ =	shalt  }
0x62: {  	_ =	shalt  }
0x63: {  	_ =	shalt  }
0x64: {  	_ =	shalt  }
0x65: {  	_ =	shalt  }
0x66: {  	_ =	shalt  }
0x67: {  	_ =	shalt  }
0x68: {  	_ =	shalt  }
0x69: {  	_ =	shalt  }
0x6a: {  	_ =	shalt  }
0x6b: {  	_ =	shalt  }
0x6c: {  	_ =	shalt  }
0x6d: {  	_ =	shalt  }
0x6e: {  	_ =	shalt  }
0x6f: {  	_ =	shalt  }
0x70: {  	_ =	shalt  }
0x71: {  	_ =	shalt  }
0x72: {  	_ =	shalt  }
0x73: {  	_ =	shalt  }
0x74: {  	_ =	shalt  }
0x75: {  	_ =	shalt  }
0x76: {  	_ =	shalt  }
0x77: {  	_ =	shalt  }
0x78: {  	_ =	shalt  }
0x79: {  	_ =	shalt  }
0x7a: {  	_ =	shalt  }
0x7b: {  	_ =	shalt  }
0x7c: {  	_ =	shalt  }
0x7d: {  	_ =	shalt  }
0x7e: {  	_ =	shalt  }
0x7f: {  	_ =	shalt  }
0x80: {  	_ =	shalt  }
0x81: {  	_ =	shalt  }
0x82: {  	_ =	shalt  }
0x83: {  	_ =	shalt  }
0x84: {  	_ =	shalt  }
0x85: {  	_ =	shalt  }
0x86: {  	_ =	shalt  }
0x87: {  	_ =	shalt  }
.Lfunc_end0:
.L_simem_size_0:
called_computation_lowered:
.L_overlay_start_0:
0x88: {  	s2 =	sld [smem:$0x3FD9]  }
0x89: {  	s3 =	sld [smem:$0x3FFE];
	_ =	sdelay $0x1  }
0x8a: {  	s1 =	srdreg.scid  }
0x8b: {  	s0 =	sand.u32 $0x1, s1  }
0x8c: {  	s17 =	sshll.u32 s0, $0xA;
	s2 =	sadd.s32 s3, s2  }
0x8d: {  	s2 =	sadd.s32 s2, s17  }
0x8e: {  	[smem:$0x3FC6] =	sst s2  }
0x8f: {  	_ = 	snop  }
0x90: {  	s2 =	sld [smem:$0x3FC8]  }
0x91: {  	s18 =	sld [smem:$0x3FD0];
	(tm) =	ssettm $0x1  }
0x92: {  	s4 =	sld [smem:$0x3FFB];
	_ =	sdelay $0x3  }
0x93: {  	_ =	strace s4  }
0x94: {  	s4 =	sld [smem:$0x3FFC];
	_ =	sdelay $0x3  }
0x95: {  	_ =	strace s4  }
0x96: {  	s4 =	sld [smem:$0x3FFD];
	_ =	sdelay $0x3  }
0x97: {  	_ =	strace s4  }
0x98: {  	_ =	strace $0x8FFFFFFF  }
0x99: {  	s19 =	sld [smem:$0x3FDB];
	_ =	sdelay $0x1  }
0x9a: {  	s5 =	simm.s32 $_scs_section_size  }
0x9b: {  	s6 =	simm.s32 $_size__tile_overlayer_lowered;
	s7 =	simm.s32 $_tile_overlayer_lowered  }
0x9c: {  	s22 =	simm.s32 $0x1BFF;
	s21 =	sshll.u32 s7, $0x1;
	s4 =	sadd.s32 s5, s19  }
0x9d: {  	s8 =	simm.s32 $0x0;
	s20 =	sshll.u32 s6, $0x1;
	s6 =	sadd.s32 s21, s4  }
0x9e: {  	[timem:s8], [sflag:s22] =	dma.local [hbm:s6], s20  }
0x9f: {  	_ =	swait.ge [sflag:s22], s20  }
0xa0: {  	s5 =	ssub.s32 $0x0, s20;
	[sflag:s22] =	ssyncset.done $0x0  }
0xa1: {  	[sflag:s22] =	ssyncadd.s32 s5;
	_ =	sdelay $0x1  }
0xa2: {  	s23 =	simm.s32 $0x1B8B  }
0xa3: {  	_ =	swait.ge [sflag:s23], $0x1  }
0xa4: {  	[sflag:s23] =	ssyncset.done $0x0  }
0xa5: {  	s25 =	simm.s32 $0x1B8E;
	s24 =	sld [smem:$0x3FFE];
	[sflag:s23] =	ssyncadd.s32 $0xFFFFFFFF  }
0xa6: {  	s26 =	simm.s32 $execute0_lowered;
	[smem:$0x3FD2] =	sst s25  }
0xa7: {  	s6 =	sshll.u32 s26, $0x1;
	_ =	strace $0x80000046;
	[dreg:$0x1] =	wrdreg $0xFFFFFFFF  }
0xa8: {  	s28 =	simm.s32 $_size_execute0_lowered;
	s4 =	sadd.s32 s4, s6;
	[dreg:$0x0] =	wrdreg $0x0  }
0xa9: {  	s6 =	sshll.u32 s28, $0x1;
	[dreg:$0x2] =	wrdreg s4  }
0xaa: {  	[dreg:$0x3] =	wrdreg s6  }
0xab: {  	[dreg:$0x4] =	wrdreg $0xC0  }
0xac: {  	_ =	task [dreg:s8], $0x5FFFF  }
0xad: {  	[dreg:$0x1] =	wrdreg $0xFFFFFFFF  }
0xae: {  	[dreg:$0x0] =	wrdreg $0x60  }
0xaf: {  	[dreg:$0x2] =	wrdreg s24  }
0xb0: {  	[dreg:$0x3] =	wrdreg s2  }
0xb1: {  	[dreg:$0x4] =	wrdreg s18  }
0xb2: {  	[dreg:$0x5] =	wrdreg $0x124000  }
0xb3: {  	[dreg:$0x6] =	wrdreg $0x9  }
0xb4: {  	_ =	task.clear_ibuf [dreg:s8], $0x7FFFF;
	_ =	strace $0x90000046  }
0xb5: {  	s29 =	simm.s32 $0x9;
	_ =	strace $0x80000048  }
0xb6: {  	_ =	swait.ge [sflag:s29], $0x1  }
0xb7: {  	[sflag:s29] =	ssyncadd.s32 $0xFFFFFFFF  }
0xb8: {  	_ =	strace $0x90000048  }
0xb9: {  	_ =	sfence  }
0xba: {  	s30 =	sld [smem:$0x0];
	_ =	sdelay $0x2  }
0xbb: {  	s31 =	sshll.u32 s1, $0xD;
	s1 =	sshrl.u32 s1, $0x2  }
0xbc: {  	s3 =	sand.u32 $0x4000, s31;
	s1 =	sadd.s32 s1, s30  }
0xbd: {  	s0 =	sor.u32 s3, s0;
	s1 =	sshll.u32 s1, $0x11  }
0xbe: {  	s0 =	sor.u32 s1, s0  }
0xbf: {  	s0 =	sadd.s32 $0x8F2B, s0  }
0xc0: {  	[sflag:s0] =	ssyncadd.remote.s32 $0x1  }
0xc1: {  	_ =	sfence.sel $0xFFFF  }
0xc2: {  	[dreg:$0x0] =	wrdreg $0xFFFFFFFF;
	(pc) =	sbr.abs _section_cstart, $3  }
0xc3: {  	[dreg:$0x1] =	wrdreg $0xFFFFFFFF  }
0xc4: {  	_ =	task.clear_ibuf [dreg:s8], $0x2FFFF;
	_ =	strace $0x9FFFFFFF  }
0xc5: {  	(tm) =	ssettm $0x7FFFFFFF  }
tec
execute0_lowered:
.L_overlay_start_1:
0x0: {  	(tag) =	ssettag $0x1  }
0x1: {  	s0 =	rddreg [dreg:$0x0]  }
0x2: {  	s1 =	rddreg [dreg:$0x1]  }
0x3: {  	s2 =	srdreg.scid;
	s12 =	rddreg [dreg:$0x2]  }
0x4: {  	s17 =	stileid.u32;
	s5 =	rddreg [dreg:$0x3]  }
0x5: {  	s25 =	simm.s32 $0x0;
	s13 =	simm.s32 $0x4;
	s14 =	simm.s32 $0x80  }
0x6: {  	s15 =	simm.s32 $0x6400;
	s16 =	simm.s32 $0xA400;
	s19 =	simm.s32 $0x1  }
0x7: {  	s23 =	simm.s32 $0x2;
	s24 =	simm.s32 $0x3;
	s7 =	smul.u32 $0x30000, s17  }
0x8: {  	s2 =	sand.u32 $0x1, s2;
	s3 =	sshll.u32 s17, $0x1;
	s10 =	smul.u32 $0x640000, s17  }
0x9: {  	s4 =	sor.u32 s2, s3;
	s26 =	ssub.s32 $0x2, s2;
	s2 =	smul.u32 $0x320000, s2  }
0xa: {  	[smem:$0x7FF] =	sst s25;
	s31 =	sshll.u32 s17, $0x6;
	s6 =	smul.u32 $0xC80, s4  }
0xb: {  	_ =	strace $0x80000047;
	s20 =	sor.u32 $0x1C03, s31;
	s8 =	smul.u32 $0x64000, s4  }
0xc: {  	s9 =	smul.u32 $0x320000, s4;
	s28 =	sshrl.u32 s7, $0x2;
	s29 =	sshrl.u32 s26, $0x1  }
0xd: {  	s4 =	sadd.s32 s28, s5;
	s11 =	ssub.s32 s26, s29;
	s2 =	sadd.s32 s2, s10  }
0xe: {  	s26 =	simm.s32 $0x0;
	s0 =	sadd.s32 s6, s0;
	s6 =	sadd.s32 $0x4000, s4  }
0xf: {  	s7 =	sadd.s32 s12, s8;
	s30 =	sshrl.u32 s9, $0x3;
	s25 =	sadd.s32 $0x8000, s4  }
0x10: {  	s2 =	sor.u32 $0x4000, s2;
	s11 =	smax.u32 s11, $0x1;
	s21 =	sshrl.u32 s4, $0x3  }
0x11: {  	s0 =	sadd.s32 $0x400, s0;
	s2 =	sshrl.u32 s2, $0x3;
	s25 =	sshrl.u32 s25, $0x3  }
0x12: {  	[dreg:$0x5] =	wrdreg s0;
	s0 =	sadd.s32 s12, s30;
	s12 =	sadd.s32 s2, s12  }
0x13: {  	s8 =	sadd.s32 $0x62800, s0;
	s9 =	sadd.s32 $0x63000, s0;
	s10 =	sadd.s32 $0x63800, s0  }
.LBB2_1:
0x14: {  	s0 =	simm.s32 $0x0;
	s2 =	rddreg [dreg:$0x5]  }
0x15: {  	[tilespmem:s0], [sflag:$0x4] =	stream.linear.gather [hbm4b:s2+s0], $0x6400, $0x38;
	[tilespmem:$0x1E400] =	vst v63  }
0x16: {  	_ =	swait.ge [sflag:s13], $0x6400  }
0x17: {  	[sflag:s13] =	ssyncset.done $0x0  }
0x18: {  	[sflag:s13] =	ssyncadd.s32 $0xFFFF9C00  }
0x19: {  	[tilespmem:s15], [sflag:$0x1] =	stream.indirect.gather [hbm4b:s1+s14], $0x80, s0, s14, $0xb8;
	[tilespmem:$0x1E400] =	vst v63  }
0x1a: {  	_ = 	snop  }
0x1b: {  	[tilespmem:s16], [sflag:$0x1] =	stream.indirect.gather [hbm4b:s1+s14], $0x80, s14, s14, $0xb8;
	[tilespmem:$0x1E400] =	vst v63  }
0x1c: {  	s3 =	simm.s32 $0xE400;
	s2 =	simm.s32 $0x100  }
0x1d: {  	[tilespmem:s3], [sflag:$0x1] =	stream.indirect.gather [hbm4b:s1+s14], $0x80, s2, s14, $0xb8;
	[tilespmem:$0x1E400] =	vst v63  }
0x1e: {  	s17 =	smul.u32 $0xAB, s23;
	_ =	swait.ge [sflag:s19], $0x4000  }
0x1f: {  	[sflag:s19] =	ssyncset.done $0x0  }
0x20: {  	s0 =	sshrl.u32 s17, $0x9;
	[sflag:s19] =	ssyncadd.s32 $0xFFFFC000  }
0x21: {  	[spmem:s4] =	stream.linear.scatter [tilespmem:s15], [sflag:$0x2], $0x4000, $0x38;
	[tilespmem:$0x1E400] =	vst v63  }
0x22: {  	s0 =	sand.u32 $0x7F, s0;
	_ =	swait.ge [sflag:s19], $0x4000  }
0x23: {  	s18 =	simm.s32 $0x1;
	s0 =	smul.u32 $0x3, s0;
	[sflag:s19] =	ssyncset.done $0x0  }
0x24: {  	s5 =	simm.s32 $0x180;
	s2 =	smul.u32 $0x5556, s18;
	[sflag:s19] =	ssyncadd.s32 $0xFFFFC000  }
0x25: {  	[spmem:s6] =	stream.linear.scatter [tilespmem:s16], [sflag:$0x2], $0x4000, $0x38;
	[tilespmem:$0x1E400] =	vst v63  }
0x26: {  	s28 =	sshrl.u32 s2, $0x1F;
	s2 =	sshrl.u32 s2, $0x10;
	_ =	swait.ge [sflag:s23], $0x4000  }
0x27: {  	s0 =	ssub.s32 $0x2, s0;
	s2 =	sadd.s32 s28, s2;
	[sflag:s23] =	ssyncset.done $0x0  }
0x28: {  	s0 =	sand.u32 $0xFF, s0;
	s2 =	smul.u32 $0x3, s2;
	[sflag:s23] =	ssyncadd.s32 $0xFFFFC000  }
0x29: {  	[hbm:s7], [sflag:s20] =	dma.local [spmem:s21], $0x800  }
0x2a: {  	[tilespmem:s15], [sflag:$0x1] =	stream.indirect.gather [hbm4b:s1+s14], $0x80, s5, s14, $0xb8;
	[tilespmem:$0x1E400] =	vst v63  }
0x2b: {  	s0 =	sshll.u32 s0, $0xE;
	s2 =	ssub.s32 $0x1, s2;
	_ =	swait.ge [sflag:s19], $0x4000  }
0x2c: {  	s28 =	sadd.s32 $0x6400, s0;
	s2 =	sshll.u32 s2, $0x10;
	[sflag:s19] =	ssyncset.done $0x0  }
0x2d: {  	s0 =	sadd.s32 s0, s4;
	s2 =	sshra.s32 s2, $0x10;
	[sflag:s19] =	ssyncadd.s32 $0xFFFFC000  }
0x2e: {  	[spmem:s0] =	stream.linear.scatter [tilespmem:s28], [sflag:$0x2], $0x4000, $0x38;
	[tilespmem:$0x1E400] =	vst v63  }
0x2f: {  	s22 =	simm.s32 $0x200;
	s2 =	sshll.u32 s2, $0xE;
	_ =	swait.ge [sflag:s23], $0x4000  }
0x30: {  	s30 =	simm.s32 $0x3;
	s28 =	sadd.s32 s2, s4;
	[sflag:s23] =	ssyncset.done $0x0  }
0x31: {  	s2 =	sadd.s32 $0x6400, s2;
	s28 =	sshrl.u32 s28, $0x3;
	[sflag:s23] =	ssyncadd.s32 $0xFFFFC000  }
0x32: {  	[hbm:s12], [sflag:s20] =	dma.local [spmem:s28], $0x800  }
0x33: {  	[tilespmem:s2], [sflag:$0x1] =	stream.indirect.gather [hbm4b:s1+s14], $0x80, s22, s14, $0xb8;
	[tilespmem:$0x1E400] =	vst v63  }
0x34: {  	s31 =	simm.s32 $0x2;
	s29 =	simm.s32 $0x280;
	s2 =	smul.u32 $0xAB, s30  }
0x35: {  	s0 =	simm.s32 $0x4;
	s28 =	sadd.s32 $0x800, s12;
	_ =	swait.ge [sflag:s24], $0x800  }
.LBB2_2:
0x36: {  	s2 =	sshrl.u32 s2, $0x9;
	s17 =	smul.u32 $0x5556, s31  }
0x37: {  	[sflag:s24] =	ssyncset.done $0x0;
	s18 =	smov.u32 s0;
	s22 =	smov.u32 s28  }
0x38: {  	s3 =	sadd.s32 $0x1, s0;
	s2 =	sand.u32 $0x7F, s2;
	[sflag:s24] =	ssyncadd.s32 $0xFFFFF800  }
0x39: {  	s2 =	smul.u32 $0x3, s2;
	s5 =	sshrl.u32 s17, $0x1F;
	s17 =	sshrl.u32 s17, $0x10  }
0x3a: {  	p0 =	sne.s32 s0, $0xC5;
	s0 =	sadd.s32 s5, s17  }
0x3b: {  	s2 =	ssub.s32 s30, s2;
	s0 =	smul.u32 $0x3, s0;
	s30 =	smov.u32 s18  }
0x3c: {  	s28 =	sadd.s32 $0x800, s28;
	s2 =	sand.u32 $0xFF, s2;
	_ =	swait.ge [sflag:s19], $0x4000  }
0x3d: {  	s2 =	sshll.u32 s2, $0xE;
	[sflag:s19] =	ssyncset.done $0x0;
	s0 =	ssub.s32 s31, s0  }
0x3e: {  	s5 =	sadd.s32 $0x6400, s2;
	s2 =	sadd.s32 s2, s4;
	s0 =	sshll.u32 s0, $0x10  }
0x3f: {  	s31 =	sadd.s32 $0xFFFFFFFF, s30;
	[sflag:s19] =	ssyncadd.s32 $0xFFFFC000;
	s0 =	sshra.s32 s0, $0x10  }
0x40: {  	[spmem:s2] =	stream.linear.scatter [tilespmem:s5], [sflag:$0x2], $0x4000, $0x38;
	[tilespmem:$0x1E400] =	vst v63  }
0x41: {  	s2 =	smul.u32 $0xAB, s30;
	s0 =	sshll.u32 s0, $0xE;
	_ =	swait.ge [sflag:s23], $0x4000  }
.Ltmp0:
0x42: {  	s5 =	sadd.s32 s0, s4;
	[sflag:s23] =	ssyncset.done $0x0;
	(pc) =	sbr.rel @p0 .LBB2_2-.Ltmp0, $4  }
0x43: {  	s0 =	sadd.s32 $0x6400, s0;
	s5 =	sshrl.u32 s5, $0x3;
	[sflag:s23] =	ssyncadd.s32 $0xFFFFC000  }
0x44: {  	[hbm:s22], [sflag:s20] =	dma.local [spmem:s5], $0x800  }
0x45: {  	[tilespmem:s0], [sflag:$0x1] =	stream.indirect.gather [hbm4b:s1+s14], $0x80, s29, s14, $0xb8;
	[tilespmem:$0x1E400] =	vst v63  }
0x46: {  	s29 =	sadd.s32 $0x80, s29;
	s0 =	smov.u32 s3;
	_ =	swait.ge [sflag:s24], $0x800  }
0x47: {  	s18 =	smul.u32 $0x5556, s31  }
0x48: {  	s0 =	sshrl.u32 s2, $0x9  }
0x49: {  	s0 =	sand.u32 $0x7F, s0;
	s3 =	sshrl.u32 s18, $0x1F;
	s2 =	sshrl.u32 s18, $0x10  }
0x4a: {  	[sflag:s24] =	ssyncset.done $0x0;
	s0 =	smul.u32 $0x3, s0;
	s2 =	sadd.s32 s3, s2  }
0x4b: {  	[sflag:s24] =	ssyncadd.s32 $0xFFFFF800;
	s2 =	smul.u32 $0x3, s2  }
0x4c: {  	_ =	swait.ge [sflag:s19], $0x4000;
	s0 =	ssub.s32 s30, s0  }
0x4d: {  	[sflag:s19] =	ssyncset.done $0x0;
	s0 =	sand.u32 $0xFF, s0;
	s2 =	ssub.s32 s31, s2  }
0x4e: {  	[sflag:s19] =	ssyncadd.s32 $0xFFFFC000;
	s0 =	sshll.u32 s0, $0xE;
	s2 =	sshll.u32 s2, $0x10  }
0x4f: {  	s22 =	sadd.s32 $0x6400, s0;
	s0 =	sadd.s32 s0, s4;
	s2 =	sshra.s32 s2, $0x10  }
0x50: {  	[spmem:s0] =	stream.linear.scatter [tilespmem:s22], [sflag:$0x2], $0x4000, $0x38;
	[tilespmem:$0x1E400] =	vst v63  }
0x51: {  	_ =	swait.ge [sflag:s23], $0x4000;
	s30 =	sshll.u32 s2, $0xE  }
0x52: {  	[sflag:s23] =	ssyncset.done $0x0;
	s2 =	sadd.s32 s30, s4  }
0x53: {  	s0 =	sadd.s32 $0x6400, s30;
	[sflag:s23] =	ssyncadd.s32 $0xFFFFC000;
	s2 =	sshrl.u32 s2, $0x3  }
0x54: {  	[hbm:s28], [sflag:s20] =	dma.local [spmem:s2], $0x800  }
0x55: {  	[tilespmem:s0], [sflag:$0x1] =	stream.indirect.gather [hbm4b:s1+s14], $0x80, s29, s14, $0xb8;
	[tilespmem:$0x1E400] =	vst v63  }
0x56: {  	_ =	swait.ge [sflag:s24], $0x800  }
0x57: {  	[sflag:s24] =	ssyncset.done $0x0  }
0x58: {  	[sflag:s24] =	ssyncadd.s32 $0xFFFFF800  }
0x59: {  	_ =	swait.ge [sflag:s19], $0x4000  }
0x5a: {  	[sflag:s19] =	ssyncset.done $0x0  }
0x5b: {  	[sflag:s19] =	ssyncadd.s32 $0xFFFFC000  }
0x5c: {  	[spmem:s4] =	stream.linear.scatter [tilespmem:s15], [sflag:$0x2], $0x4000, $0x38;
	[tilespmem:$0x1E400] =	vst v63  }
0x5d: {  	_ =	swait.ge [sflag:s23], $0x4000  }
0x5e: {  	[sflag:s23] =	ssyncset.done $0x0  }
0x5f: {  	[sflag:s23] =	ssyncadd.s32 $0xFFFFC000  }
0x60: {  	[hbm:s8], [sflag:s20] =	dma.local [spmem:s25], $0x800  }
0x61: {  	_ =	swait.ge [sflag:s24], $0x800  }
0x62: {  	[sflag:s24] =	ssyncset.done $0x0  }
0x63: {  	[sflag:s24] =	ssyncadd.s32 $0xFFFFF800  }
0x64: {  	_ =	swait.ge [sflag:s19], $0x4000  }
0x65: {  	[sflag:s19] =	ssyncset.done $0x0  }
0x66: {  	[sflag:s19] =	ssyncadd.s32 $0xFFFFC000  }
0x67: {  	[spmem:s6] =	stream.linear.scatter [tilespmem:s16], [sflag:$0x2], $0x4000, $0x38;
	[tilespmem:$0x1E400] =	vst v63  }
0x68: {  	_ =	swait.ge [sflag:s23], $0x4000  }
0x69: {  	[sflag:s23] =	ssyncset.done $0x0  }
0x6a: {  	[sflag:s23] =	ssyncadd.s32 $0xFFFFC000  }
0x6b: {  	[hbm:s9], [sflag:s20] =	dma.local [spmem:s21], $0x800  }
0x6c: {  	_ =	swait.ge [sflag:s24], $0x800  }
0x6d: {  	[sflag:s24] =	ssyncset.done $0x0  }
0x6e: {  	[sflag:s24] =	ssyncadd.s32 $0xFFFFF800  }
0x6f: {  	_ =	swait.ge [sflag:s23], $0x4000  }
0x70: {  	[sflag:s23] =	ssyncset.done $0x0  }
0x71: {  	s26 =	sadd.s32 $0x1, s26;
	s31 =	sshrl.u32 s6, $0x3;
	[sflag:s23] =	ssyncadd.s32 $0xFFFFC000  }
0x72: {  	[hbm:s10], [sflag:s20] =	dma.local [spmem:s31], $0x800  }
0x73: {  	p0 =	sne.s32 s26, s11;
	_ =	swait.ge [sflag:s24], $0x800  }
.Ltmp1:
0x74: {  	[sflag:s24] =	ssyncset.done $0x0;
	(pc) =	sbr.rel @p0 .LBB2_1-.Ltmp1, $4  }
0x75: {  	[sflag:s24] =	ssyncadd.s32 $0xFFFFF800  }
0x76: {  	_ =	swait.ge [sflag:s24], $0x800  }
0x77: {  	[sflag:s24] =	ssyncset.done $0x0  }
0x78: {  	[sflag:s24] =	ssyncadd.s32 $0xFFFFF800  }
0x79: {  	_ =	sfence.sel $0x180000  }
0x7a: {  	[bflag:$0x0] =	sbarrier.arrive $0xFFFF  }
0x7b: {  	_ =	strace $0x90000047  }
0x7c: {  	s0 =	stileid.u32;
	[bflag:$0x2] =	sbarrier.arrive $0xFFFF  }
0x7d: {  	p0 =	sne.s32 s0, $0x0;
	s0 =	rddreg [dreg:$0x4]  }
0x7e: {  	s0 =	sadd.s32 @!p0 $0x100000, s0  }
0x7f: {  	[sflag:s0] =	ssyncadd.tile.s32 @!p0 $0x1;
	_ =	shalt  }
.Lfunc_end2:
_tile_overlayer_lowered:
.L_overlay_start_2:
0x80: {  	(tag) =	ssettag $0x2  }
0x81: {  	s0 =	rddreg [dreg:$0x0];
	s2 =	stileid.u32  }
0x82: {  	s1 =	rddreg [dreg:$0x1];
	p0 =	sne.s32 s2, $0x0  }
0x83: {  	s3 =	rddreg [dreg:$0x2];
	[bflag:$0x3] =	sbarrier.arrive $0xFFFF;
	s2 =	simm.s32 @!p0 $0x1C04  }
0x84: {  	[timem:s3], [sflag:s2] =	dma.local @!p0 [hbm:s0], s1  }
0x85: {  	s0 =	simm.s32 @!p0 $0x4  }
0x86: {  	_ =	swait.ge @!p0 [sflag:s0], s1  }
0x87: {  	s1 =	ssub.s32 @!p0 $0x0, s1;
	[sflag:s0] =	ssyncset.done @!p0 $0x0  }
0x88: {  	[sflag:s0] =	ssyncadd.s32 @!p0 s1  }
0x89: {  	[bflag:$0x3] =	sbarrier.arrive $0xFFFF  }
0x8a: {  	_ =	shalt  }

</sc_bundles>
